<compile_context>
chip_gen: v7x
topology: tpu7x:2x2x1
jax: 0.10.2.dev20260603
libtpu: 0.0.44.dev20260713+nightly
codegen_flags: <defaults>
</compile_context>

<pallas_src>
import functools

import jax
import jax.numpy as jnp
from jax import lax
from jax.experimental import pallas as pl
from jax.experimental.pallas import tpu as pltpu
from jax.experimental.pallas import tpu_sc as plsc

TOPK = 3
COMMIT = 0.25
BIG_ID = float(2**30)
CHUNK = 128


def _top3_merge(c, cid):
    mins, sels = [], []
    for t in range(TOPK):
        m = jnp.min(c, axis=1, keepdims=True)
        sel = jnp.min(jnp.where(c == m, cid, BIG_ID), axis=1, keepdims=True)
        mins.append(m)
        sels.append(sel)
        if t < TOPK - 1:
            c = jnp.where(cid == sel, jnp.inf, c)
    return mins, sels


def _pack3(mins, sels, R, base=0):
    lane = lax.broadcasted_iota(jnp.int32, (R, 128), 1)
    nv = jnp.full((R, 128), jnp.inf, jnp.float32)
    ni = jnp.full((R, 128), BIG_ID, jnp.float32)
    for t in range(TOPK - 1, -1, -1):
        nv = jnp.where(lane == base + t, mins[t], nv)
        ni = jnp.where(lane == base + t, sels[t], ni)
    return nv, ni


def _dist_body(nk, x_ref, w_ref, d_ref, idx_ref, loss_ref,
               vals_scr, ids_scr, loss_scr):
    r = pl.program_id(0)
    k = pl.program_id(1)
    R = x_ref.shape[0]
    KB = w_ref.shape[0]
    nch = KB // CHUNK

    x = x_ref[...]
    w = w_ref[...]
    xx = jnp.sum(x * x, axis=1, keepdims=True)
    ww = jnp.sum(w * w, axis=1)[None, :]
    xw2 = lax.dot_general(-2.0 * x, w, (((1,), (1,)), ((), ())),
                          preferred_element_type=jnp.float32)
    d = (xx + ww) + xw2
    d_ref[...] = d

    @pl.when(k == 0)
    def _init():
        vals_scr[...] = jnp.full((R, 128), jnp.inf, jnp.float32)
        ids_scr[...] = jnp.full((R, 128), BIG_ID, jnp.float32)

    @pl.when(jnp.logical_and(r == 0, k == 0))
    def _init_loss():
        loss_scr[0] = 0.0

    gids = (lax.broadcasted_iota(jnp.int32, (R, KB), 1)
            + k * KB).astype(jnp.float32)
    step_vals, step_gids = _top3_merge(d, gids)

    sv, si = _pack3(step_vals, step_gids, R, base=3)
    lane128 = lax.broadcasted_iota(jnp.int32, (R, 128), 1)
    cv = jnp.where(lane128 < TOPK, vals_scr[...], sv)
    ci = jnp.where(lane128 < TOPK, ids_scr[...], si)
    mins, sels = _top3_merge(cv, ci)
    nv, ni = _pack3(mins, sels, R)
    vals_scr[...] = nv
    ids_scr[...] = ni

    @pl.when(k == nk - 1)
    def _emit():
        idx_ref[...] = ids_scr[...].astype(jnp.int32)
        top = jnp.where(lane128 < TOPK, vals_scr[...], 0.0)
        loss_scr[0] += jnp.sum(top)

    @pl.when(jnp.logical_and(r == pl.num_programs(0) - 1, k == nk - 1))
    def _emit_loss():
        n_total = R * pl.num_programs(0)
        v = COMMIT * loss_scr[0] / (n_total * TOPK * x_ref.shape[1])
        loss_ref[...] = jnp.reshape(v, (1, 1))


def _dist_top3(flat, emb, R=2048, KB=1024):
    N, C = flat.shape
    K = emb.shape[0]
    nr, nk = N // R, K // KB
    body = functools.partial(_dist_body, nk)
    return pl.pallas_call(
        body,
        grid=(nr, nk),
        in_specs=[
            pl.BlockSpec((R, C), lambda r, k: (r, 0)),
            pl.BlockSpec((KB, C), lambda r, k: (k, 0)),
        ],
        out_specs=[
            pl.BlockSpec((R, KB), lambda r, k: (r, k)),
            pl.BlockSpec((R, 128), lambda r, k: (r, 0)),
            pl.BlockSpec((1, 1), lambda r, k: (0, 0)),
        ],
        out_shape=[
            jax.ShapeDtypeStruct((N, K), jnp.float32),
            jax.ShapeDtypeStruct((N, 128), jnp.int32),
            jax.ShapeDtypeStruct((1, 1), jnp.float32),
        ],
        scratch_shapes=[
            pltpu.VMEM((R, 128), jnp.float32),
            pltpu.VMEM((R, 128), jnp.float32),
            pltpu.SMEM((1,), jnp.float32),
        ],
    )(flat, emb)


def _gather_hist(table, idx_flat, hist_K):
    info = plsc.get_sparse_core_info()
    NC, NS, L = info.num_cores, info.num_subcores, info.num_lanes
    NW = NC * NS
    M = idx_flat.shape[0]
    C = table.shape[1]
    per_w = M // NW
    CH = 128
    n_ch = per_w // CH
    mesh = plsc.VectorSubcoreMesh(core_axis_name="c", subcore_axis_name="s")

    @functools.partial(
        pl.kernel,
        out_type=[
            jax.ShapeDtypeStruct((M, C), jnp.float32),
            jax.ShapeDtypeStruct((NW, hist_K), jnp.float32),
        ],
        mesh=mesh,
        scratch_types=[
            pltpu.VMEM((per_w,), jnp.int32),
            pltpu.VMEM((CH, C), jnp.float32),
            pltpu.VMEM((CH, C), jnp.float32),
            pltpu.VMEM((hist_K,), jnp.float32),
            pltpu.SemaphoreType.DMA,
            pltpu.SemaphoreType.DMA,
            pltpu.SemaphoreType.DMA,
            pltpu.SemaphoreType.DMA,
        ],
        compiler_params=pltpu.CompilerParams(needs_layout_passes=False),
    )
    def k(table_hbm, idx_hbm, outq_hbm, cnt_hbm,
          idx_all, rows0, rows1, cnt_v, g0, g1, w0, w1):
        cid = lax.axis_index("c")
        sid = lax.axis_index("s")
        wid = sid * NC + cid
        base = wid * per_w
        rows = [rows0, rows1]
        gsem = [g0, g1]
        wsem = [w0, w1]

        pltpu.sync_copy(idx_hbm.at[pl.ds(base, per_w)], idx_all)

        def zero_body(i, _):
            cnt_v[pl.ds(i * L, L)] = jnp.zeros((L,), jnp.float32)
            return 0
        lax.fori_loop(0, hist_K // L, zero_body, 0)

        ones = jnp.ones((L,), jnp.float32)
        gh = [None] * n_ch
        wh = [None] * n_ch
        gh[0] = pltpu.async_copy(
            table_hbm.at[idx_all.at[pl.ds(0, CH)]], rows[0], gsem[0])
        for c in range(n_ch):
            if c + 1 < n_ch:
                if c >= 1:
                    wh[c - 1].wait()
                gh[c + 1] = pltpu.async_copy(
                    table_hbm.at[idx_all.at[pl.ds((c + 1) * CH, CH)]],
                    rows[(c + 1) % 2], gsem[(c + 1) % 2])
            gh[c].wait()
            wh[c] = pltpu.async_copy(
                rows[c % 2], outq_hbm.at[pl.ds(base + c * CH, CH)],
                wsem[c % 2])
            for j in range(CH // L):
                v = idx_all[pl.ds(c * CH + j * L, L)]
                plsc.addupdate_scatter(cnt_v, [v], ones)

        wh[n_ch - 2].wait()
        wh[n_ch - 1].wait()
        pltpu.sync_copy(cnt_v, cnt_hbm.at[wid])

    return k(table, idx_flat)


def _finalize_body(n_total, cnt_ref, avg_ref, perp_ref):
    counts = jnp.sum(cnt_ref[...], axis=0, keepdims=True)
    avg = counts / n_total
    avg_ref[...] = avg
    ent = jnp.sum(avg * jnp.log(avg + 1e-10))
    perp_ref[...] = jnp.reshape(jnp.exp(-ent), (1, 1))


def _finalize(cnt, n_total):
    NW, K = cnt.shape
    return pl.pallas_call(
        functools.partial(_finalize_body, n_total),
        out_specs=[
            pl.BlockSpec((1, K), lambda: (0, 0)),
            pl.BlockSpec((1, 1), lambda: (0, 0)),
        ],
        out_shape=[
            jax.ShapeDtypeStruct((1, K), jnp.float32),
            jax.ShapeDtypeStruct((1, 1), jnp.float32),
        ],
    )(cnt)


def kernel(inputs, embedding_weight):
    B, T, C = inputs.shape
    K = embedding_weight.shape[0]
    N = B * T
    flat = inputs.reshape(N, C)

    distances, idx_pad, loss = _dist_top3(flat, embedding_weight)
    idx3 = idx_pad[:, :TOPK]
    idx_flat = idx3.reshape(-1)

    quantized_flat, cnt = _gather_hist(embedding_weight, idx_flat, K)
    avg, perp = _finalize(cnt, N)

    loss_out = loss.reshape(())
    quantized_st = quantized_flat.reshape(B, T, TOPK, C)
    perplexity = perp.reshape(())
    avg_probs = avg.reshape(K)
    encoding_indices_out = idx3.reshape(B, T, TOPK)
    distances_out = distances.reshape(B, T, K)
    return (loss_out, quantized_st, perplexity, avg_probs,
            encoding_indices_out, distances_out)

# --- scband reference (transcript-rebuilt; emitter-appended) ---
"""Pipeline reference for scband-feature-quantizer-ema-30932354466466 (READ-ONLY COPY).

The authoritative reference and input builder live on the scoring server;
editing this copy changes nothing except your own understanding.
"""

import jax, jax.numpy as jnp
import numpy as np


def setup_inputs(seed: int = 0) -> dict:
    key = jax.random.key(seed)
    k1, k2 = jax.random.split(key)
    inputs = jax.random.normal(k1, (8, 1024, 256), dtype=jnp.float32)
    embedding_weight = jax.random.normal(k2, (8192, 256), dtype=jnp.float32)
    return {"inputs": inputs, "embedding_weight": embedding_weight}


def reference(inputs, embedding_weight):
    B, T, C = inputs.shape
    K = embedding_weight.shape[0]
    topk = 3
    commitment_cost = 0.25
    flat = inputs.reshape(-1, C)
    distances = (jnp.sum(flat ** 2, axis=1, keepdims=True)
                 + jnp.sum(embedding_weight ** 2, axis=1)
                 - 2.0 * (flat @ embedding_weight.T))
    # torch.topk(..., largest=False) == top_k of negated distances
    _, encoding_indices = jax.lax.top_k(-distances, topk)
    quantized = jnp.take(embedding_weight, encoding_indices, axis=0)  # [N, k, C]
    quantized = quantized.reshape(B, T, topk, C)
    inputs_rep = jnp.broadcast_to(inputs[:, :, None, :], (B, T, topk, C))
    e_latent_loss = jnp.mean((jax.lax.stop_gradient(quantized) - inputs_rep) ** 2)
    loss = commitment_cost * e_latent_loss
    quantized_st = inputs_rep + jax.lax.stop_gradient(quantized - inputs_rep)
    # top-k indices within a row are distinct, so one-hot scatter sum == bincount
    counts = jnp.bincount(encoding_indices.reshape(-1), length=K).astype(jnp.float32)
    avg_probs = counts / flat.shape[0]
    perplexity = jnp.exp(-jnp.sum(avg_probs * jnp.log(avg_probs + 1e-10)))
    encoding_indices_out = encoding_indices.reshape(B, T, topk)
    distances_out = distances.reshape(B, T, K)
    return (loss, quantized_st, perplexity, avg_probs, encoding_indices_out, distances_out)

if __name__ == "__main__":
    import jax
    _d = setup_inputs()
    print(jax.jit(kernel)(*tuple(_d.values())))

</pallas_src>

<mosaic_0001>
#map = affine_map<(d0, d1) -> (0, 0)>
#map1 = affine_map<(d0, d1) -> (0)>
module attributes {stable_mosaic.version = 14 : i64} {
  func.func @k(%arg0: i32, %arg1: i32, %arg2: memref<8192x256xf32, #tpu.memory_space<hbm>>, %arg3: memref<24576xi32, #tpu.memory_space<hbm>>, %arg4: memref<24576x256xf32, #tpu.memory_space<hbm>>, %arg5: memref<32x8192xf32, #tpu.memory_space<hbm>>, %arg6: memref<768xi32, #tpu.memory_space<vmem>>, %arg7: memref<128x256xf32, #tpu.memory_space<vmem>>, %arg8: memref<128x256xf32, #tpu.memory_space<vmem>>, %arg9: memref<8192xf32, #tpu.memory_space<vmem>>, %arg10: memref<!tpu.dma_semaphore, #tpu.memory_space<semaphore_mem>>, %arg11: memref<!tpu.dma_semaphore, #tpu.memory_space<semaphore_mem>>, %arg12: memref<!tpu.dma_semaphore, #tpu.memory_space<semaphore_mem>>, %arg13: memref<!tpu.dma_semaphore, #tpu.memory_space<semaphore_mem>>) attributes {dimension_semantics = [#tpu.dimension_semantics<core_parallel>, #tpu.dimension_semantics<subcore_parallel>], iteration_bounds = array<i64: 2, 16>, scalar_prefetch = 0 : i64, scratch_operands = 8 : i64, tpu.core_type = #tpu.core_type<sc_vector_subcore>, window_params = [{transform_indices = #map}, {transform_indices = #map1}, {transform_indices = #map}, {transform_indices = #map}]} {
    %mul3A = arith.constant 2 : i32
    %mul3A_0 = arith.muli %arg1, %mul3A : i32
    %add3A = arith.addi %mul3A_0, %arg0 : i32
    %mul3A_1 = arith.constant 768 : i32
    %mul3A_2 = arith.muli %add3A, %mul3A_1 : i32
    "tpu.region"() ({
      %run_scoped3A = tpu.sem_alloc : memref<!tpu.dma_semaphore, #tpu.memory_space<semaphore_mem>>
      %dma_start3A_223 = tpu.memref_slice %arg3[%mul3A_2] : memref<24576xi32, #tpu.memory_space<hbm>> -> memref<768xi32, #tpu.memory_space<hbm>>
      %dma_start3A_224 = tpu.memref_slice %arg3[%mul3A_2] : memref<24576xi32, #tpu.memory_space<hbm>> -> memref<768xi32, #tpu.memory_space<hbm>>
      tpu.enqueue_dma source(%dma_start3A_224 : memref<768xi32, #tpu.memory_space<hbm>>) target(%arg6 : memref<768xi32, #tpu.memory_space<vmem>>) target_semaphore(%run_scoped3A : memref<!tpu.dma_semaphore, #tpu.memory_space<semaphore_mem>>)
      %dma_wait3A_225 = tpu.memref_slice %arg3[%mul3A_2] : memref<24576xi32, #tpu.memory_space<hbm>> -> memref<768xi32, #tpu.memory_space<hbm>>
      %dma_wait3A_226 = tpu.memref_slice %arg3[%mul3A_2] : memref<24576xi32, #tpu.memory_space<hbm>> -> memref<768xi32, #tpu.memory_space<hbm>>
      tpu.wait_dma2 semaphore(%run_scoped3A : memref<!tpu.dma_semaphore, #tpu.memory_space<semaphore_mem>>) src(%dma_wait3A_226 : memref<768xi32, #tpu.memory_space<hbm>>) dst(%arg6 : memref<768xi32, #tpu.memory_space<vmem>>)
      tpu.yield
    }) : () -> ()
    %scan3A = arith.constant 0 : i32
    %scan3A_3 = arith.constant 0 : i32
    %scan3A_4 = arith.constant 512 : i32
    %scan3A_5 = arith.addi %scan3A_3, %scan3A_4 : i32
    %scan3A_6 = arith.constant 1 : i32
    %scan3A_7 = scf.for %scan3A_223 = %scan3A_3 to %scan3A_5 step %scan3A_6 iter_args(%scan3A_224 = %scan3A) -> (i32)  : i32 {
      %broadcast_in_dim3A_225 = arith.constant 0.000000e+00 : f32
      %broadcast_in_dim3A_226 = vector.broadcast %broadcast_in_dim3A_225 : f32 to vector<16xf32>
      %mul3A_227 = arith.constant 16 : i32
      %mul3A_228 = arith.muli %scan3A_223, %mul3A_227 : i32
      %swap3A = arith.index_cast %mul3A_228 : i32 to index
      %swap3A_229 = tpu.vector_load %arg9[%swap3A] {strides = array<i32>} : memref<8192xf32, #tpu.memory_space<vmem>>, vector<16xf32>,
      tpu.vector_store %arg9[%swap3A], %broadcast_in_dim3A_226 {strides = array<i32>} : memref<8192xf32, #tpu.memory_space<vmem>>, vector<16xf32>,
      %scan3A_230 = arith.constant 0 : i32
      scf.yield %scan3A_230 : i32
    }
    %scan3A_8 = arith.constant 512 : i32
    %broadcast_in_dim3A = arith.constant 1.000000e+00 : f32
    %broadcast_in_dim3A_9 = vector.broadcast %broadcast_in_dim3A : f32 to vector<16xf32>
    %dma_start3A = arith.constant 0 : i32
    %dma_start3A_10 = tpu.memref_slice %arg6[%dma_start3A] : memref<768xi32, #tpu.memory_space<vmem>> -> memref<128xi32, #tpu.memory_space<vmem>>
    %dma_start3A_11 = arith.constant 0 : i32
    %dma_start3A_12 = arith.constant 0 : i32
    %dma_start3A_13 = tpu.memref_slice %arg2[%dma_start3A_11, %dma_start3A_12] : memref<8192x256xf32, #tpu.memory_space<hbm>> -> memref<8192x256xf32, #tpu.memory_space<hbm>>
    tpu.enqueue_indirect_dma source(%dma_start3A_13 : memref<8192x256xf32, #tpu.memory_space<hbm>>) target(%arg7 : memref<128x256xf32, #tpu.memory_space<vmem>>) offsets(%dma_start3A_10 : memref<128xi32, #tpu.memory_space<vmem>>) semaphore(%arg10 : memref<!tpu.dma_semaphore, #tpu.memory_space<semaphore_mem>>)
    %dma_start3A_14 = arith.constant 128 : i32
    %dma_start3A_15 = tpu.memref_slice %arg6[%dma_start3A_14] : memref<768xi32, #tpu.memory_space<vmem>> -> memref<128xi32, #tpu.memory_space<vmem>>
    %dma_start3A_16 = arith.constant 0 : i32
    %dma_start3A_17 = arith.constant 0 : i32
    %dma_start3A_18 = tpu.memref_slice %arg2[%dma_start3A_16, %dma_start3A_17] : memref<8192x256xf32, #tpu.memory_space<hbm>> -> memref<8192x256xf32, #tpu.memory_space<hbm>>
    tpu.enqueue_indirect_dma source(%dma_start3A_18 : memref<8192x256xf32, #tpu.memory_space<hbm>>) target(%arg8 : memref<128x256xf32, #tpu.memory_space<vmem>>) offsets(%dma_start3A_15 : memref<128xi32, #tpu.memory_space<vmem>>) semaphore(%arg11 : memref<!tpu.dma_semaphore, #tpu.memory_space<semaphore_mem>>)
    %dma_wait3A = arith.constant 0 : i32
    %dma_wait3A_19 = tpu.memref_slice %arg6[%dma_wait3A] : memref<768xi32, #tpu.memory_space<vmem>> -> memref<128xi32, #tpu.memory_space<vmem>>
    %dma_wait3A_20 = arith.constant 0 : i32
    %dma_wait3A_21 = arith.constant 0 : i32
    %dma_wait3A_22 = tpu.memref_slice %arg2[%dma_wait3A_20, %dma_wait3A_21] : memref<8192x256xf32, #tpu.memory_space<hbm>> -> memref<8192x256xf32, #tpu.memory_space<hbm>>
    tpu.wait_indirect_dma semaphore(%arg10 : memref<!tpu.dma_semaphore, #tpu.memory_space<semaphore_mem>>) src(%dma_wait3A_22 : memref<8192x256xf32, #tpu.memory_space<hbm>>) dst(%arg7 : memref<128x256xf32, #tpu.memory_space<vmem>>)
    %add3A_23 = arith.constant 0 : i32
    %add3A_24 = arith.addi %mul3A_2, %add3A_23 : i32
    %dma_start3A_25 = arith.constant 0 : i32
    %dma_start3A_26 = tpu.memref_slice %arg4[%add3A_24, %dma_start3A_25] : memref<24576x256xf32, #tpu.memory_space<hbm>> -> memref<128x256xf32, #tpu.memory_space<hbm>>
    %dma_start3A_27 = arith.constant 0 : i32
    %dma_start3A_28 = tpu.memref_slice %arg4[%add3A_24, %dma_start3A_27] : memref<24576x256xf32, #tpu.memory_space<hbm>> -> memref<128x256xf32, #tpu.memory_space<hbm>>
    tpu.enqueue_dma source(%arg7 : memref<128x256xf32, #tpu.memory_space<vmem>>) target(%dma_start3A_28 : memref<128x256xf32, #tpu.memory_space<hbm>>) target_semaphore(%arg12 : memref<!tpu.dma_semaphore, #tpu.memory_space<semaphore_mem>>)
    %get3A = arith.constant 0 : index
    %get3A_29 = tpu.vector_load %arg6[%get3A] {strides = array<i32>} : memref<768xi32, #tpu.memory_space<vmem>>, vector<16xi32>,
    tpu.vector_store_idx %arg9[%get3A_29], %broadcast_in_dim3A_9 {add = true} : memref<8192xf32, #tpu.memory_space<vmem>>[vector<16xi32>], vector<16xf32>,
    %get3A_30 = arith.constant 16 : index
    %get3A_31 = tpu.vector_load %arg6[%get3A_30] {strides = array<i32>} : memref<768xi32, #tpu.memory_space<vmem>>, vector<16xi32>,
    tpu.vector_store_idx %arg9[%get3A_31], %broadcast_in_dim3A_9 {add = true} : memref<8192xf32, #tpu.memory_space<vmem>>[vector<16xi32>], vector<16xf32>,
    %get3A_32 = arith.constant 32 : index
    %get3A_33 = tpu.vector_load %arg6[%get3A_32] {strides = array<i32>} : memref<768xi32, #tpu.memory_space<vmem>>, vector<16xi32>,
    tpu.vector_store_idx %arg9[%get3A_33], %broadcast_in_dim3A_9 {add = true} : memref<8192xf32, #tpu.memory_space<vmem>>[vector<16xi32>], vector<16xf32>,
    %get3A_34 = arith.constant 48 : index
    %get3A_35 = tpu.vector_load %arg6[%get3A_34] {strides = array<i32>} : memref<768xi32, #tpu.memory_space<vmem>>, vector<16xi32>,
    tpu.vector_store_idx %arg9[%get3A_35], %broadcast_in_dim3A_9 {add = true} : memref<8192xf32, #tpu.memory_space<vmem>>[vector<16xi32>], vector<16xf32>,
    %get3A_36 = arith.constant 64 : index
    %get3A_37 = tpu.vector_load %arg6[%get3A_36] {strides = array<i32>} : memref<768xi32, #tpu.memory_space<vmem>>, vector<16xi32>,
    tpu.vector_store_idx %arg9[%get3A_37], %broadcast_in_dim3A_9 {add = true} : memref<8192xf32, #tpu.memory_space<vmem>>[vector<16xi32>], vector<16xf32>,
    %get3A_38 = arith.constant 80 : index
    %get3A_39 = tpu.vector_load %arg6[%get3A_38] {strides = array<i32>} : memref<768xi32, #tpu.memory_space<vmem>>, vector<16xi32>,
    tpu.vector_store_idx %arg9[%get3A_39], %broadcast_in_dim3A_9 {add = true} : memref<8192xf32, #tpu.memory_space<vmem>>[vector<16xi32>], vector<16xf32>,
    %get3A_40 = arith.constant 96 : index
    %get3A_41 = tpu.vector_load %arg6[%get3A_40] {strides = array<i32>} : memref<768xi32, #tpu.memory_space<vmem>>, vector<16xi32>,
    tpu.vector_store_idx %arg9[%get3A_41], %broadcast_in_dim3A_9 {add = true} : memref<8192xf32, #tpu.memory_space<vmem>>[vector<16xi32>], vector<16xf32>,
    %get3A_42 = arith.constant 112 : index
    %get3A_43 = tpu.vector_load %arg6[%get3A_42] {strides = array<i32>} : memref<768xi32, #tpu.memory_space<vmem>>, vector<16xi32>,
    tpu.vector_store_idx %arg9[%get3A_43], %broadcast_in_dim3A_9 {add = true} : memref<8192xf32, #tpu.memory_space<vmem>>[vector<16xi32>], vector<16xf32>,
    %dma_wait3A_44 = arith.constant 0 : i32
    %dma_wait3A_45 = tpu.memref_slice %arg4[%add3A_24, %dma_wait3A_44] : memref<24576x256xf32, #tpu.memory_space<hbm>> -> memref<128x256xf32, #tpu.memory_space<hbm>>
    %dma_wait3A_46 = arith.constant 0 : i32
    %dma_wait3A_47 = tpu.memref_slice %arg4[%add3A_24, %dma_wait3A_46] : memref<24576x256xf32, #tpu.memory_space<hbm>> -> memref<128x256xf32, #tpu.memory_space<hbm>>
    tpu.wait_dma2 semaphore(%arg12 : memref<!tpu.dma_semaphore, #tpu.memory_space<semaphore_mem>>) src(%arg7 : memref<128x256xf32, #tpu.memory_space<vmem>>) dst(%dma_wait3A_47 : memref<128x256xf32, #tpu.memory_space<hbm>>)
    %dma_start3A_48 = arith.constant 256 : i32
    %dma_start3A_49 = tpu.memref_slice %arg6[%dma_start3A_48] : memref<768xi32, #tpu.memory_space<vmem>> -> memref<128xi32, #tpu.memory_space<vmem>>
    %dma_start3A_50 = arith.constant 0 : i32
    %dma_start3A_51 = arith.constant 0 : i32
    %dma_start3A_52 = tpu.memref_slice %arg2[%dma_start3A_50, %dma_start3A_51] : memref<8192x256xf32, #tpu.memory_space<hbm>> -> memref<8192x256xf32, #tpu.memory_space<hbm>>
    tpu.enqueue_indirect_dma source(%dma_start3A_52 : memref<8192x256xf32, #tpu.memory_space<hbm>>) target(%arg7 : memref<128x256xf32, #tpu.memory_space<vmem>>) offsets(%dma_start3A_49 : memref<128xi32, #tpu.memory_space<vmem>>) semaphore(%arg10 : memref<!tpu.dma_semaphore, #tpu.memory_space<semaphore_mem>>)
    %dma_wait3A_53 = arith.constant 128 : i32
    %dma_wait3A_54 = tpu.memref_slice %arg6[%dma_wait3A_53] : memref<768xi32, #tpu.memory_space<vmem>> -> memref<128xi32, #tpu.memory_space<vmem>>
    %dma_wait3A_55 = arith.constant 0 : i32
    %dma_wait3A_56 = arith.constant 0 : i32
    %dma_wait3A_57 = tpu.memref_slice %arg2[%dma_wait3A_55, %dma_wait3A_56] : memref<8192x256xf32, #tpu.memory_space<hbm>> -> memref<8192x256xf32, #tpu.memory_space<hbm>>
    tpu.wait_indirect_dma semaphore(%arg11 : memref<!tpu.dma_semaphore, #tpu.memory_space<semaphore_mem>>) src(%dma_wait3A_57 : memref<8192x256xf32, #tpu.memory_space<hbm>>) dst(%arg8 : memref<128x256xf32, #tpu.memory_space<vmem>>)
    %add3A_58 = arith.constant 128 : i32
    %add3A_59 = arith.addi %mul3A_2, %add3A_58 : i32
    %dma_start3A_60 = arith.constant 0 : i32
    %dma_start3A_61 = tpu.memref_slice %arg4[%add3A_59, %dma_start3A_60] : memref<24576x256xf32, #tpu.memory_space<hbm>> -> memref<128x256xf32, #tpu.memory_space<hbm>>
    %dma_start3A_62 = arith.constant 0 : i32
    %dma_start3A_63 = tpu.memref_slice %arg4[%add3A_59, %dma_start3A_62] : memref<24576x256xf32, #tpu.memory_space<hbm>> -> memref<128x256xf32, #tpu.memory_space<hbm>>
    tpu.enqueue_dma source(%arg8 : memref<128x256xf32, #tpu.memory_space<vmem>>) target(%dma_start3A_63 : memref<128x256xf32, #tpu.memory_space<hbm>>) target_semaphore(%arg13 : memref<!tpu.dma_semaphore, #tpu.memory_space<semaphore_mem>>)
    %get3A_64 = arith.constant 128 : index
    %get3A_65 = tpu.vector_load %arg6[%get3A_64] {strides = array<i32>} : memref<768xi32, #tpu.memory_space<vmem>>, vector<16xi32>,
    tpu.vector_store_idx %arg9[%get3A_65], %broadcast_in_dim3A_9 {add = true} : memref<8192xf32, #tpu.memory_space<vmem>>[vector<16xi32>], vector<16xf32>,
    %get3A_66 = arith.constant 144 : index
    %get3A_67 = tpu.vector_load %arg6[%get3A_66] {strides = array<i32>} : memref<768xi32, #tpu.memory_space<vmem>>, vector<16xi32>,
    tpu.vector_store_idx %arg9[%get3A_67], %broadcast_in_dim3A_9 {add = true} : memref<8192xf32, #tpu.memory_space<vmem>>[vector<16xi32>], vector<16xf32>,
    %get3A_68 = arith.constant 160 : index
    %get3A_69 = tpu.vector_load %arg6[%get3A_68] {strides = array<i32>} : memref<768xi32, #tpu.memory_space<vmem>>, vector<16xi32>,
    tpu.vector_store_idx %arg9[%get3A_69], %broadcast_in_dim3A_9 {add = true} : memref<8192xf32, #tpu.memory_space<vmem>>[vector<16xi32>], vector<16xf32>,
    %get3A_70 = arith.constant 176 : index
    %get3A_71 = tpu.vector_load %arg6[%get3A_70] {strides = array<i32>} : memref<768xi32, #tpu.memory_space<vmem>>, vector<16xi32>,
    tpu.vector_store_idx %arg9[%get3A_71], %broadcast_in_dim3A_9 {add = true} : memref<8192xf32, #tpu.memory_space<vmem>>[vector<16xi32>], vector<16xf32>,
    %get3A_72 = arith.constant 192 : index
    %get3A_73 = tpu.vector_load %arg6[%get3A_72] {strides = array<i32>} : memref<768xi32, #tpu.memory_space<vmem>>, vector<16xi32>,
    tpu.vector_store_idx %arg9[%get3A_73], %broadcast_in_dim3A_9 {add = true} : memref<8192xf32, #tpu.memory_space<vmem>>[vector<16xi32>], vector<16xf32>,
    %get3A_74 = arith.constant 208 : index
    %get3A_75 = tpu.vector_load %arg6[%get3A_74] {strides = array<i32>} : memref<768xi32, #tpu.memory_space<vmem>>, vector<16xi32>,
    tpu.vector_store_idx %arg9[%get3A_75], %broadcast_in_dim3A_9 {add = true} : memref<8192xf32, #tpu.memory_space<vmem>>[vector<16xi32>], vector<16xf32>,
    %get3A_76 = arith.constant 224 : index
    %get3A_77 = tpu.vector_load %arg6[%get3A_76] {strides = array<i32>} : memref<768xi32, #tpu.memory_space<vmem>>, vector<16xi32>,
    tpu.vector_store_idx %arg9[%get3A_77], %broadcast_in_dim3A_9 {add = true} : memref<8192xf32, #tpu.memory_space<vmem>>[vector<16xi32>], vector<16xf32>,
    %get3A_78 = arith.constant 240 : index
    %get3A_79 = tpu.vector_load %arg6[%get3A_78] {strides = array<i32>} : memref<768xi32, #tpu.memory_space<vmem>>, vector<16xi32>,
    tpu.vector_store_idx %arg9[%get3A_79], %broadcast_in_dim3A_9 {add = true} : memref<8192xf32, #tpu.memory_space<vmem>>[vector<16xi32>], vector<16xf32>,
    %dma_wait3A_80 = arith.constant 0 : i32
    %dma_wait3A_81 = tpu.memref_slice %arg4[%add3A_59, %dma_wait3A_80] : memref<24576x256xf32, #tpu.memory_space<hbm>> -> memref<128x256xf32, #tpu.memory_space<hbm>>
    %dma_wait3A_82 = arith.constant 0 : i32
    %dma_wait3A_83 = tpu.memref_slice %arg4[%add3A_59, %dma_wait3A_82] : memref<24576x256xf32, #tpu.memory_space<hbm>> -> memref<128x256xf32, #tpu.memory_space<hbm>>
    tpu.wait_dma2 semaphore(%arg13 : memref<!tpu.dma_semaphore, #tpu.memory_space<semaphore_mem>>) src(%arg8 : memref<128x256xf32, #tpu.memory_space<vmem>>) dst(%dma_wait3A_83 : memref<128x256xf32, #tpu.memory_space<hbm>>)
    %dma_start3A_84 = arith.constant 384 : i32
    %dma_start3A_85 = tpu.memref_slice %arg6[%dma_start3A_84] : memref<768xi32, #tpu.memory_space<vmem>> -> memref<128xi32, #tpu.memory_space<vmem>>
    %dma_start3A_86 = arith.constant 0 : i32
    %dma_start3A_87 = arith.constant 0 : i32
    %dma_start3A_88 = tpu.memref_slice %arg2[%dma_start3A_86, %dma_start3A_87] : memref<8192x256xf32, #tpu.memory_space<hbm>> -> memref<8192x256xf32, #tpu.memory_space<hbm>>
    tpu.enqueue_indirect_dma source(%dma_start3A_88 : memref<8192x256xf32, #tpu.memory_space<hbm>>) target(%arg8 : memref<128x256xf32, #tpu.memory_space<vmem>>) offsets(%dma_start3A_85 : memref<128xi32, #tpu.memory_space<vmem>>) semaphore(%arg11 : memref<!tpu.dma_semaphore, #tpu.memory_space<semaphore_mem>>)
    %dma_wait3A_89 = arith.constant 256 : i32
    %dma_wait3A_90 = tpu.memref_slice %arg6[%dma_wait3A_89] : memref<768xi32, #tpu.memory_space<vmem>> -> memref<128xi32, #tpu.memory_space<vmem>>
    %dma_wait3A_91 = arith.constant 0 : i32
    %dma_wait3A_92 = arith.constant 0 : i32
    %dma_wait3A_93 = tpu.memref_slice %arg2[%dma_wait3A_91, %dma_wait3A_92] : memref<8192x256xf32, #tpu.memory_space<hbm>> -> memref<8192x256xf32, #tpu.memory_space<hbm>>
    tpu.wait_indirect_dma semaphore(%arg10 : memref<!tpu.dma_semaphore, #tpu.memory_space<semaphore_mem>>) src(%dma_wait3A_93 : memref<8192x256xf32, #tpu.memory_space<hbm>>) dst(%arg7 : memref<128x256xf32, #tpu.memory_space<vmem>>)
    %add3A_94 = arith.constant 256 : i32
    %add3A_95 = arith.addi %mul3A_2, %add3A_94 : i32
    %dma_start3A_96 = arith.constant 0 : i32
    %dma_start3A_97 = tpu.memref_slice %arg4[%add3A_95, %dma_start3A_96] : memref<24576x256xf32, #tpu.memory_space<hbm>> -> memref<128x256xf32, #tpu.memory_space<hbm>>
    %dma_start3A_98 = arith.constant 0 : i32
    %dma_start3A_99 = tpu.memref_slice %arg4[%add3A_95, %dma_start3A_98] : memref<24576x256xf32, #tpu.memory_space<hbm>> -> memref<128x256xf32, #tpu.memory_space<hbm>>
    tpu.enqueue_dma source(%arg7 : memref<128x256xf32, #tpu.memory_space<vmem>>) target(%dma_start3A_99 : memref<128x256xf32, #tpu.memory_space<hbm>>) target_semaphore(%arg12 : memref<!tpu.dma_semaphore, #tpu.memory_space<semaphore_mem>>)
    %get3A_100 = arith.constant 256 : index
    %get3A_101 = tpu.vector_load %arg6[%get3A_100] {strides = array<i32>} : memref<768xi32, #tpu.memory_space<vmem>>, vector<16xi32>,
    tpu.vector_store_idx %arg9[%get3A_101], %broadcast_in_dim3A_9 {add = true} : memref<8192xf32, #tpu.memory_space<vmem>>[vector<16xi32>], vector<16xf32>,
    %get3A_102 = arith.constant 272 : index
    %get3A_103 = tpu.vector_load %arg6[%get3A_102] {strides = array<i32>} : memref<768xi32, #tpu.memory_space<vmem>>, vector<16xi32>,
    tpu.vector_store_idx %arg9[%get3A_103], %broadcast_in_dim3A_9 {add = true} : memref<8192xf32, #tpu.memory_space<vmem>>[vector<16xi32>], vector<16xf32>,
    %get3A_104 = arith.constant 288 : index
    %get3A_105 = tpu.vector_load %arg6[%get3A_104] {strides = array<i32>} : memref<768xi32, #tpu.memory_space<vmem>>, vector<16xi32>,
    tpu.vector_store_idx %arg9[%get3A_105], %broadcast_in_dim3A_9 {add = true} : memref<8192xf32, #tpu.memory_space<vmem>>[vector<16xi32>], vector<16xf32>,
    %get3A_106 = arith.constant 304 : index
    %get3A_107 = tpu.vector_load %arg6[%get3A_106] {strides = array<i32>} : memref<768xi32, #tpu.memory_space<vmem>>, vector<16xi32>,
    tpu.vector_store_idx %arg9[%get3A_107], %broadcast_in_dim3A_9 {add = true} : memref<8192xf32, #tpu.memory_space<vmem>>[vector<16xi32>], vector<16xf32>,
    %get3A_108 = arith.constant 320 : index
    %get3A_109 = tpu.vector_load %arg6[%get3A_108] {strides = array<i32>} : memref<768xi32, #tpu.memory_space<vmem>>, vector<16xi32>,
    tpu.vector_store_idx %arg9[%get3A_109], %broadcast_in_dim3A_9 {add = true} : memref<8192xf32, #tpu.memory_space<vmem>>[vector<16xi32>], vector<16xf32>,
    %get3A_110 = arith.constant 336 : index
    %get3A_111 = tpu.vector_load %arg6[%get3A_110] {strides = array<i32>} : memref<768xi32, #tpu.memory_space<vmem>>, vector<16xi32>,
    tpu.vector_store_idx %arg9[%get3A_111], %broadcast_in_dim3A_9 {add = true} : memref<8192xf32, #tpu.memory_space<vmem>>[vector<16xi32>], vector<16xf32>,
    %get3A_112 = arith.constant 352 : index
    %get3A_113 = tpu.vector_load %arg6[%get3A_112] {strides = array<i32>} : memref<768xi32, #tpu.memory_space<vmem>>, vector<16xi32>,
    tpu.vector_store_idx %arg9[%get3A_113], %broadcast_in_dim3A_9 {add = true} : memref<8192xf32, #tpu.memory_space<vmem>>[vector<16xi32>], vector<16xf32>,
    %get3A_114 = arith.constant 368 : index
    %get3A_115 = tpu.vector_load %arg6[%get3A_114] {strides = array<i32>} : memref<768xi32, #tpu.memory_space<vmem>>, vector<16xi32>,
    tpu.vector_store_idx %arg9[%get3A_115], %broadcast_in_dim3A_9 {add = true} : memref<8192xf32, #tpu.memory_space<vmem>>[vector<16xi32>], vector<16xf32>,
    %dma_wait3A_116 = arith.constant 0 : i32
    %dma_wait3A_117 = tpu.memref_slice %arg4[%add3A_95, %dma_wait3A_116] : memref<24576x256xf32, #tpu.memory_space<hbm>> -> memref<128x256xf32, #tpu.memory_space<hbm>>
    %dma_wait3A_118 = arith.constant 0 : i32
    %dma_wait3A_119 = tpu.memref_slice %arg4[%add3A_95, %dma_wait3A_118] : memref<24576x256xf32, #tpu.memory_space<hbm>> -> memref<128x256xf32, #tpu.memory_space<hbm>>
    tpu.wait_dma2 semaphore(%arg12 : memref<!tpu.dma_semaphore, #tpu.memory_space<semaphore_mem>>) src(%arg7 : memref<128x256xf32, #tpu.memory_space<vmem>>) dst(%dma_wait3A_119 : memref<128x256xf32, #tpu.memory_space<hbm>>)
    %dma_start3A_120 = arith.constant 512 : i32
    %dma_start3A_121 = tpu.memref_slice %arg6[%dma_start3A_120] : memref<768xi32, #tpu.memory_space<vmem>> -> memref<128xi32, #tpu.memory_space<vmem>>
    %dma_start3A_122 = arith.constant 0 : i32
    %dma_start3A_123 = arith.constant 0 : i32
    %dma_start3A_124 = tpu.memref_slice %arg2[%dma_start3A_122, %dma_start3A_123] : memref<8192x256xf32, #tpu.memory_space<hbm>> -> memref<8192x256xf32, #tpu.memory_space<hbm>>
    tpu.enqueue_indirect_dma source(%dma_start3A_124 : memref<8192x256xf32, #tpu.memory_space<hbm>>) target(%arg7 : memref<128x256xf32, #tpu.memory_space<vmem>>) offsets(%dma_start3A_121 : memref<128xi32, #tpu.memory_space<vmem>>) semaphore(%arg10 : memref<!tpu.dma_semaphore, #tpu.memory_space<semaphore_mem>>)
    %dma_wait3A_125 = arith.constant 384 : i32
    %dma_wait3A_126 = tpu.memref_slice %arg6[%dma_wait3A_125] : memref<768xi32, #tpu.memory_space<vmem>> -> memref<128xi32, #tpu.memory_space<vmem>>
    %dma_wait3A_127 = arith.constant 0 : i32
    %dma_wait3A_128 = arith.constant 0 : i32
    %dma_wait3A_129 = tpu.memref_slice %arg2[%dma_wait3A_127, %dma_wait3A_128] : memref<8192x256xf32, #tpu.memory_space<hbm>> -> memref<8192x256xf32, #tpu.memory_space<hbm>>
    tpu.wait_indirect_dma semaphore(%arg11 : memref<!tpu.dma_semaphore, #tpu.memory_space<semaphore_mem>>) src(%dma_wait3A_129 : memref<8192x256xf32, #tpu.memory_space<hbm>>) dst(%arg8 : memref<128x256xf32, #tpu.memory_space<vmem>>)
    %add3A_130 = arith.constant 384 : i32
    %add3A_131 = arith.addi %mul3A_2, %add3A_130 : i32
    %dma_start3A_132 = arith.constant 0 : i32
    %dma_start3A_133 = tpu.memref_slice %arg4[%add3A_131, %dma_start3A_132] : memref<24576x256xf32, #tpu.memory_space<hbm>> -> memref<128x256xf32, #tpu.memory_space<hbm>>
    %dma_start3A_134 = arith.constant 0 : i32
    %dma_start3A_135 = tpu.memref_slice %arg4[%add3A_131, %dma_start3A_134] : memref<24576x256xf32, #tpu.memory_space<hbm>> -> memref<128x256xf32, #tpu.memory_space<hbm>>
    tpu.enqueue_dma source(%arg8 : memref<128x256xf32, #tpu.memory_space<vmem>>) target(%dma_start3A_135 : memref<128x256xf32, #tpu.memory_space<hbm>>) target_semaphore(%arg13 : memref<!tpu.dma_semaphore, #tpu.memory_space<semaphore_mem>>)
    %get3A_136 = arith.constant 384 : index
    %get3A_137 = tpu.vector_load %arg6[%get3A_136] {strides = array<i32>} : memref<768xi32, #tpu.memory_space<vmem>>, vector<16xi32>,
    tpu.vector_store_idx %arg9[%get3A_137], %broadcast_in_dim3A_9 {add = true} : memref<8192xf32, #tpu.memory_space<vmem>>[vector<16xi32>], vector<16xf32>,
    %get3A_138 = arith.constant 400 : index
    %get3A_139 = tpu.vector_load %arg6[%get3A_138] {strides = array<i32>} : memref<768xi32, #tpu.memory_space<vmem>>, vector<16xi32>,
    tpu.vector_store_idx %arg9[%get3A_139], %broadcast_in_dim3A_9 {add = true} : memref<8192xf32, #tpu.memory_space<vmem>>[vector<16xi32>], vector<16xf32>,
    %get3A_140 = arith.constant 416 : index
    %get3A_141 = tpu.vector_load %arg6[%get3A_140] {strides = array<i32>} : memref<768xi32, #tpu.memory_space<vmem>>, vector<16xi32>,
    tpu.vector_store_idx %arg9[%get3A_141], %broadcast_in_dim3A_9 {add = true} : memref<8192xf32, #tpu.memory_space<vmem>>[vector<16xi32>], vector<16xf32>,
    %get3A_142 = arith.constant 432 : index
    %get3A_143 = tpu.vector_load %arg6[%get3A_142] {strides = array<i32>} : memref<768xi32, #tpu.memory_space<vmem>>, vector<16xi32>,
    tpu.vector_store_idx %arg9[%get3A_143], %broadcast_in_dim3A_9 {add = true} : memref<8192xf32, #tpu.memory_space<vmem>>[vector<16xi32>], vector<16xf32>,
    %get3A_144 = arith.constant 448 : index
    %get3A_145 = tpu.vector_load %arg6[%get3A_144] {strides = array<i32>} : memref<768xi32, #tpu.memory_space<vmem>>, vector<16xi32>,
    tpu.vector_store_idx %arg9[%get3A_145], %broadcast_in_dim3A_9 {add = true} : memref<8192xf32, #tpu.memory_space<vmem>>[vector<16xi32>], vector<16xf32>,
    %get3A_146 = arith.constant 464 : index
    %get3A_147 = tpu.vector_load %arg6[%get3A_146] {strides = array<i32>} : memref<768xi32, #tpu.memory_space<vmem>>, vector<16xi32>,
    tpu.vector_store_idx %arg9[%get3A_147], %broadcast_in_dim3A_9 {add = true} : memref<8192xf32, #tpu.memory_space<vmem>>[vector<16xi32>], vector<16xf32>,
    %get3A_148 = arith.constant 480 : index
    %get3A_149 = tpu.vector_load %arg6[%get3A_148] {strides = array<i32>} : memref<768xi32, #tpu.memory_space<vmem>>, vector<16xi32>,
    tpu.vector_store_idx %arg9[%get3A_149], %broadcast_in_dim3A_9 {add = true} : memref<8192xf32, #tpu.memory_space<vmem>>[vector<16xi32>], vector<16xf32>,
    %get3A_150 = arith.constant 496 : index
    %get3A_151 = tpu.vector_load %arg6[%get3A_150] {strides = array<i32>} : memref<768xi32, #tpu.memory_space<vmem>>, vector<16xi32>,
    tpu.vector_store_idx %arg9[%get3A_151], %broadcast_in_dim3A_9 {add = true} : memref<8192xf32, #tpu.memory_space<vmem>>[vector<16xi32>], vector<16xf32>,
    %dma_wait3A_152 = arith.constant 0 : i32
    %dma_wait3A_153 = tpu.memref_slice %arg4[%add3A_131, %dma_wait3A_152] : memref<24576x256xf32, #tpu.memory_space<hbm>> -> memref<128x256xf32, #tpu.memory_space<hbm>>
    %dma_wait3A_154 = arith.constant 0 : i32
    %dma_wait3A_155 = tpu.memref_slice %arg4[%add3A_131, %dma_wait3A_154] : memref<24576x256xf32, #tpu.memory_space<hbm>> -> memref<128x256xf32, #tpu.memory_space<hbm>>
    tpu.wait_dma2 semaphore(%arg13 : memref<!tpu.dma_semaphore, #tpu.memory_space<semaphore_mem>>) src(%arg8 : memref<128x256xf32, #tpu.memory_space<vmem>>) dst(%dma_wait3A_155 : memref<128x256xf32, #tpu.memory_space<hbm>>)
    %dma_start3A_156 = arith.constant 640 : i32
    %dma_start3A_157 = tpu.memref_slice %arg6[%dma_start3A_156] : memref<768xi32, #tpu.memory_space<vmem>> -> memref<128xi32, #tpu.memory_space<vmem>>
    %dma_start3A_158 = arith.constant 0 : i32
    %dma_start3A_159 = arith.constant 0 : i32
    %dma_start3A_160 = tpu.memref_slice %arg2[%dma_start3A_158, %dma_start3A_159] : memref<8192x256xf32, #tpu.memory_space<hbm>> -> memref<8192x256xf32, #tpu.memory_space<hbm>>
    tpu.enqueue_indirect_dma source(%dma_start3A_160 : memref<8192x256xf32, #tpu.memory_space<hbm>>) target(%arg8 : memref<128x256xf32, #tpu.memory_space<vmem>>) offsets(%dma_start3A_157 : memref<128xi32, #tpu.memory_space<vmem>>) semaphore(%arg11 : memref<!tpu.dma_semaphore, #tpu.memory_space<semaphore_mem>>)
    %dma_wait3A_161 = arith.constant 512 : i32
    %dma_wait3A_162 = tpu.memref_slice %arg6[%dma_wait3A_161] : memref<768xi32, #tpu.memory_space<vmem>> -> memref<128xi32, #tpu.memory_space<vmem>>
    %dma_wait3A_163 = arith.constant 0 : i32
    %dma_wait3A_164 = arith.constant 0 : i32
    %dma_wait3A_165 = tpu.memref_slice %arg2[%dma_wait3A_163, %dma_wait3A_164] : memref<8192x256xf32, #tpu.memory_space<hbm>> -> memref<8192x256xf32, #tpu.memory_space<hbm>>
    tpu.wait_indirect_dma semaphore(%arg10 : memref<!tpu.dma_semaphore, #tpu.memory_space<semaphore_mem>>) src(%dma_wait3A_165 : memref<8192x256xf32, #tpu.memory_space<hbm>>) dst(%arg7 : memref<128x256xf32, #tpu.memory_space<vmem>>)
    %add3A_166 = arith.constant 512 : i32
    %add3A_167 = arith.addi %mul3A_2, %add3A_166 : i32
    %dma_start3A_168 = arith.constant 0 : i32
    %dma_start3A_169 = tpu.memref_slice %arg4[%add3A_167, %dma_start3A_168] : memref<24576x256xf32, #tpu.memory_space<hbm>> -> memref<128x256xf32, #tpu.memory_space<hbm>>
    %dma_start3A_170 = arith.constant 0 : i32
    %dma_start3A_171 = tpu.memref_slice %arg4[%add3A_167, %dma_start3A_170] : memref<24576x256xf32, #tpu.memory_space<hbm>> -> memref<128x256xf32, #tpu.memory_space<hbm>>
    tpu.enqueue_dma source(%arg7 : memref<128x256xf32, #tpu.memory_space<vmem>>) target(%dma_start3A_171 : memref<128x256xf32, #tpu.memory_space<hbm>>) target_semaphore(%arg12 : memref<!tpu.dma_semaphore, #tpu.memory_space<semaphore_mem>>)
    %get3A_172 = arith.constant 512 : index
    %get3A_173 = tpu.vector_load %arg6[%get3A_172] {strides = array<i32>} : memref<768xi32, #tpu.memory_space<vmem>>, vector<16xi32>,
    tpu.vector_store_idx %arg9[%get3A_173], %broadcast_in_dim3A_9 {add = true} : memref<8192xf32, #tpu.memory_space<vmem>>[vector<16xi32>], vector<16xf32>,
    %get3A_174 = arith.constant 528 : index
    %get3A_175 = tpu.vector_load %arg6[%get3A_174] {strides = array<i32>} : memref<768xi32, #tpu.memory_space<vmem>>, vector<16xi32>,
    tpu.vector_store_idx %arg9[%get3A_175], %broadcast_in_dim3A_9 {add = true} : memref<8192xf32, #tpu.memory_space<vmem>>[vector<16xi32>], vector<16xf32>,
    %get3A_176 = arith.constant 544 : index
    %get3A_177 = tpu.vector_load %arg6[%get3A_176] {strides = array<i32>} : memref<768xi32, #tpu.memory_space<vmem>>, vector<16xi32>,
    tpu.vector_store_idx %arg9[%get3A_177], %broadcast_in_dim3A_9 {add = true} : memref<8192xf32, #tpu.memory_space<vmem>>[vector<16xi32>], vector<16xf32>,
    %get3A_178 = arith.constant 560 : index
    %get3A_179 = tpu.vector_load %arg6[%get3A_178] {strides = array<i32>} : memref<768xi32, #tpu.memory_space<vmem>>, vector<16xi32>,
    tpu.vector_store_idx %arg9[%get3A_179], %broadcast_in_dim3A_9 {add = true} : memref<8192xf32, #tpu.memory_space<vmem>>[vector<16xi32>], vector<16xf32>,
    %get3A_180 = arith.constant 576 : index
    %get3A_181 = tpu.vector_load %arg6[%get3A_180] {strides = array<i32>} : memref<768xi32, #tpu.memory_space<vmem>>, vector<16xi32>,
    tpu.vector_store_idx %arg9[%get3A_181], %broadcast_in_dim3A_9 {add = true} : memref<8192xf32, #tpu.memory_space<vmem>>[vector<16xi32>], vector<16xf32>,
    %get3A_182 = arith.constant 592 : index
    %get3A_183 = tpu.vector_load %arg6[%get3A_182] {strides = array<i32>} : memref<768xi32, #tpu.memory_space<vmem>>, vector<16xi32>,
    tpu.vector_store_idx %arg9[%get3A_183], %broadcast_in_dim3A_9 {add = true} : memref<8192xf32, #tpu.memory_space<vmem>>[vector<16xi32>], vector<16xf32>,
    %get3A_184 = arith.constant 608 : index
    %get3A_185 = tpu.vector_load %arg6[%get3A_184] {strides = array<i32>} : memref<768xi32, #tpu.memory_space<vmem>>, vector<16xi32>,
    tpu.vector_store_idx %arg9[%get3A_185], %broadcast_in_dim3A_9 {add = true} : memref<8192xf32, #tpu.memory_space<vmem>>[vector<16xi32>], vector<16xf32>,
    %get3A_186 = arith.constant 624 : index
    %get3A_187 = tpu.vector_load %arg6[%get3A_186] {strides = array<i32>} : memref<768xi32, #tpu.memory_space<vmem>>, vector<16xi32>,
    tpu.vector_store_idx %arg9[%get3A_187], %broadcast_in_dim3A_9 {add = true} : memref<8192xf32, #tpu.memory_space<vmem>>[vector<16xi32>], vector<16xf32>,
    %dma_wait3A_188 = arith.constant 640 : i32
    %dma_wait3A_189 = tpu.memref_slice %arg6[%dma_wait3A_188] : memref<768xi32, #tpu.memory_space<vmem>> -> memref<128xi32, #tpu.memory_space<vmem>>
    %dma_wait3A_190 = arith.constant 0 : i32
    %dma_wait3A_191 = arith.constant 0 : i32
    %dma_wait3A_192 = tpu.memref_slice %arg2[%dma_wait3A_190, %dma_wait3A_191] : memref<8192x256xf32, #tpu.memory_space<hbm>> -> memref<8192x256xf32, #tpu.memory_space<hbm>>
    tpu.wait_indirect_dma semaphore(%arg11 : memref<!tpu.dma_semaphore, #tpu.memory_space<semaphore_mem>>) src(%dma_wait3A_192 : memref<8192x256xf32, #tpu.memory_space<hbm>>) dst(%arg8 : memref<128x256xf32, #tpu.memory_space<vmem>>)
    %add3A_193 = arith.constant 640 : i32
    %add3A_194 = arith.addi %mul3A_2, %add3A_193 : i32
    %dma_start3A_195 = arith.constant 0 : i32
    %dma_start3A_196 = tpu.memref_slice %arg4[%add3A_194, %dma_start3A_195] : memref<24576x256xf32, #tpu.memory_space<hbm>> -> memref<128x256xf32, #tpu.memory_space<hbm>>
    %dma_start3A_197 = arith.constant 0 : i32
    %dma_start3A_198 = tpu.memref_slice %arg4[%add3A_194, %dma_start3A_197] : memref<24576x256xf32, #tpu.memory_space<hbm>> -> memref<128x256xf32, #tpu.memory_space<hbm>>
    tpu.enqueue_dma source(%arg8 : memref<128x256xf32, #tpu.memory_space<vmem>>) target(%dma_start3A_198 : memref<128x256xf32, #tpu.memory_space<hbm>>) target_semaphore(%arg13 : memref<!tpu.dma_semaphore, #tpu.memory_space<semaphore_mem>>)
    %get3A_199 = arith.constant 640 : index
    %get3A_200 = tpu.vector_load %arg6[%get3A_199] {strides = array<i32>} : memref<768xi32, #tpu.memory_space<vmem>>, vector<16xi32>,
    tpu.vector_store_idx %arg9[%get3A_200], %broadcast_in_dim3A_9 {add = true} : memref<8192xf32, #tpu.memory_space<vmem>>[vector<16xi32>], vector<16xf32>,
    %get3A_201 = arith.constant 656 : index
    %get3A_202 = tpu.vector_load %arg6[%get3A_201] {strides = array<i32>} : memref<768xi32, #tpu.memory_space<vmem>>, vector<16xi32>,
    tpu.vector_store_idx %arg9[%get3A_202], %broadcast_in_dim3A_9 {add = true} : memref<8192xf32, #tpu.memory_space<vmem>>[vector<16xi32>], vector<16xf32>,
    %get3A_203 = arith.constant 672 : index
    %get3A_204 = tpu.vector_load %arg6[%get3A_203] {strides = array<i32>} : memref<768xi32, #tpu.memory_space<vmem>>, vector<16xi32>,
    tpu.vector_store_idx %arg9[%get3A_204], %broadcast_in_dim3A_9 {add = true} : memref<8192xf32, #tpu.memory_space<vmem>>[vector<16xi32>], vector<16xf32>,
    %get3A_205 = arith.constant 688 : index
    %get3A_206 = tpu.vector_load %arg6[%get3A_205] {strides = array<i32>} : memref<768xi32, #tpu.memory_space<vmem>>, vector<16xi32>,
    tpu.vector_store_idx %arg9[%get3A_206], %broadcast_in_dim3A_9 {add = true} : memref<8192xf32, #tpu.memory_space<vmem>>[vector<16xi32>], vector<16xf32>,
    %get3A_207 = arith.constant 704 : index
    %get3A_208 = tpu.vector_load %arg6[%get3A_207] {strides = array<i32>} : memref<768xi32, #tpu.memory_space<vmem>>, vector<16xi32>,
    tpu.vector_store_idx %arg9[%get3A_208], %broadcast_in_dim3A_9 {add = true} : memref<8192xf32, #tpu.memory_space<vmem>>[vector<16xi32>], vector<16xf32>,
    %get3A_209 = arith.constant 720 : index
    %get3A_210 = tpu.vector_load %arg6[%get3A_209] {strides = array<i32>} : memref<768xi32, #tpu.memory_space<vmem>>, vector<16xi32>,
    tpu.vector_store_idx %arg9[%get3A_210], %broadcast_in_dim3A_9 {add = true} : memref<8192xf32, #tpu.memory_space<vmem>>[vector<16xi32>], vector<16xf32>,
    %get3A_211 = arith.constant 736 : index
    %get3A_212 = tpu.vector_load %arg6[%get3A_211] {strides = array<i32>} : memref<768xi32, #tpu.memory_space<vmem>>, vector<16xi32>,
    tpu.vector_store_idx %arg9[%get3A_212], %broadcast_in_dim3A_9 {add = true} : memref<8192xf32, #tpu.memory_space<vmem>>[vector<16xi32>], vector<16xf32>,
    %get3A_213 = arith.constant 752 : index
    %get3A_214 = tpu.vector_load %arg6[%get3A_213] {strides = array<i32>} : memref<768xi32, #tpu.memory_space<vmem>>, vector<16xi32>,
    tpu.vector_store_idx %arg9[%get3A_214], %broadcast_in_dim3A_9 {add = true} : memref<8192xf32, #tpu.memory_space<vmem>>[vector<16xi32>], vector<16xf32>,
    %dma_wait3A_215 = arith.constant 0 : i32
    %dma_wait3A_216 = tpu.memref_slice %arg4[%add3A_167, %dma_wait3A_215] : memref<24576x256xf32, #tpu.memory_space<hbm>> -> memref<128x256xf32, #tpu.memory_space<hbm>>
    %dma_wait3A_217 = arith.constant 0 : i32
    %dma_wait3A_218 = tpu.memref_slice %arg4[%add3A_167, %dma_wait3A_217] : memref<24576x256xf32, #tpu.memory_space<hbm>> -> memref<128x256xf32, #tpu.memory_space<hbm>>
    tpu.wait_dma2 semaphore(%arg12 : memref<!tpu.dma_semaphore, #tpu.memory_space<semaphore_mem>>) src(%arg7 : memref<128x256xf32, #tpu.memory_space<vmem>>) dst(%dma_wait3A_218 : memref<128x256xf32, #tpu.memory_space<hbm>>)
    %dma_wait3A_219 = arith.constant 0 : i32
    %dma_wait3A_220 = tpu.memref_slice %arg4[%add3A_194, %dma_wait3A_219] : memref<24576x256xf32, #tpu.memory_space<hbm>> -> memref<128x256xf32, #tpu.memory_space<hbm>>
    %dma_wait3A_221 = arith.constant 0 : i32
    %dma_wait3A_222 = tpu.memref_slice %arg4[%add3A_194, %dma_wait3A_221] : memref<24576x256xf32, #tpu.memory_space<hbm>> -> memref<128x256xf32, #tpu.memory_space<hbm>>
    tpu.wait_dma2 semaphore(%arg13 : memref<!tpu.dma_semaphore, #tpu.memory_space<semaphore_mem>>) src(%arg8 : memref<128x256xf32, #tpu.memory_space<vmem>>) dst(%dma_wait3A_222 : memref<128x256xf32, #tpu.memory_space<hbm>>)
    "tpu.region"() ({
      %run_scoped3A = tpu.sem_alloc : memref<!tpu.dma_semaphore, #tpu.memory_space<semaphore_mem>>
      %dma_start3A_223 = arith.constant 0 : i32
      %dma_start3A_224 = tpu.memref_slice %arg5[%add3A, %dma_start3A_223] : memref<32x8192xf32, #tpu.memory_space<hbm>> -> memref<1x8192xf32, #tpu.memory_space<hbm>>
      %dma_start3A_225 = tpu.memref_squeeze %dma_start3A_224 : memref<1x8192xf32, #tpu.memory_space<hbm>> -> memref<8192xf32, #tpu.memory_space<hbm>>
      %dma_start3A_226 = arith.constant 0 : i32
      %dma_start3A_227 = tpu.memref_slice %arg5[%add3A, %dma_start3A_226] : memref<32x8192xf32, #tpu.memory_space<hbm>> -> memref<1x8192xf32, #tpu.memory_space<hbm>>
      %dma_start3A_228 = tpu.memref_squeeze %dma_start3A_227 : memref<1x8192xf32, #tpu.memory_space<hbm>> -> memref<8192xf32, #tpu.memory_space<hbm>>
      tpu.enqueue_dma source(%arg9 : memref<8192xf32, #tpu.memory_space<vmem>>) target(%dma_start3A_228 : memref<8192xf32, #tpu.memory_space<hbm>>) target_semaphore(%run_scoped3A : memref<!tpu.dma_semaphore, #tpu.memory_space<semaphore_mem>>)
      %dma_wait3A_229 = arith.constant 0 : i32
      %dma_wait3A_230 = tpu.memref_slice %arg5[%add3A, %dma_wait3A_229] : memref<32x8192xf32, #tpu.memory_space<hbm>> -> memref<1x8192xf32, #tpu.memory_space<hbm>>
      %dma_wait3A_231 = tpu.memref_squeeze %dma_wait3A_230 : memref<1x8192xf32, #tpu.memory_space<hbm>> -> memref<8192xf32, #tpu.memory_space<hbm>>
      %dma_wait3A_232 = arith.constant 0 : i32
      %dma_wait3A_233 = tpu.memref_slice %arg5[%add3A, %dma_wait3A_232] : memref<32x8192xf32, #tpu.memory_space<hbm>> -> memref<1x8192xf32, #tpu.memory_space<hbm>>
      %dma_wait3A_234 = tpu.memref_squeeze %dma_wait3A_233 : memref<1x8192xf32, #tpu.memory_space<hbm>> -> memref<8192xf32, #tpu.memory_space<hbm>>
      tpu.wait_dma2 semaphore(%run_scoped3A : memref<!tpu.dma_semaphore, #tpu.memory_space<semaphore_mem>>) src(%arg9 : memref<8192xf32, #tpu.memory_space<vmem>>) dst(%dma_wait3A_234 : memref<8192xf32, #tpu.memory_space<hbm>>)
      tpu.yield
    }) : () -> ()
    return
  }
}

module attributes {stable_mosaic.version = 14 : i64} {
  func.func @_finalize_body(%arg0: memref<32x8192xf32, #tpu.memory_space<vmem>>, %arg1: memref<1x8192xf32, #tpu.memory_space<vmem>>, %arg2: memref<1x1xf32, #tpu.memory_space<vmem>>) attributes {dimension_semantics = [], scalar_prefetch = 0 : i64, scratch_operands = 0 : i64, tpu.core_type = #tpu.core_type<tc>} {
    %get3A = arith.constant 0 : index
    %get3A_0 = arith.constant 0 : index
    %get3A_1 = vector.load %arg0[%get3A, %get3A_0] : memref<32x8192xf32, #tpu.memory_space<vmem>>, vector<32x8192xf32>
    %reduce_sum3A = arith.constant dense<0.000000e+00> : vector<8192xf32>
    %reduce_sum3A_2 = vector.multi_reduction <add>, %get3A_1, %reduce_sum3A [0] : vector<32x8192xf32> to vector<8192xf32>
    %broadcast_in_dim3A = vector.shape_cast %reduce_sum3A_2 : vector<8192xf32> to vector<1x8192xf32>
    %div3A = arith.constant 8.192000e+03 : f32
    %div3A_3 = vector.broadcast %div3A : f32 to vector<1x8192xf32>
    %div3A_4 = arith.divf %broadcast_in_dim3A, %div3A_3 : vector<1x8192xf32>
    %swap3A = arith.constant 0 : index
    %swap3A_5 = arith.constant 0 : index
    %swap3A_6 = vector.load %arg1[%swap3A, %swap3A_5] : memref<1x8192xf32, #tpu.memory_space<vmem>>, vector<1x8192xf32>
    tpu.vector_store %arg1[%swap3A, %swap3A_5], %div3A_4 {strides = array<i32>} : memref<1x8192xf32, #tpu.memory_space<vmem>>, vector<1x8192xf32>,
    %add3A = arith.constant 1.000000e-10 : f32
    %add3A_7 = vector.broadcast %add3A : f32 to vector<1x8192xf32>
    %add3A_8 = arith.addf %div3A_4, %add3A_7 : vector<1x8192xf32>
    %log3A = math.log %add3A_8 : vector<1x8192xf32>
    %mul3A = arith.mulf %div3A_4, %log3A : vector<1x8192xf32>
    %reduce_sum3A_9 = vector.shape_cast %mul3A : vector<1x8192xf32> to vector<1x1x8192xf32>
    %reduce_sum3A_10 = arith.constant dense<0.000000e+00> : vector<1xf32>
    %reduce_sum3A_11 = vector.multi_reduction <add>, %reduce_sum3A_9, %reduce_sum3A_10 [1, 2] : vector<1x1x8192xf32> to vector<1xf32>
    %reduce_sum3A_12 = vector.shape_cast %reduce_sum3A_11 : vector<1xf32> to vector<1x1x1xf32>
    %reduce_sum3A_13 = vector.extract %reduce_sum3A_12[0, 0, 0] : f32 from vector<1x1x1xf32>
    %neg3A = arith.constant 0.000000e+00 : f32
    %neg3A_14 = arith.subf %neg3A, %reduce_sum3A_13 : f32
    %exp3A = math.exp %neg3A_14 : f32
    %reshape3A = vector.broadcast %exp3A : f32 to vector<1x1xf32>
    %swap3A_15 = arith.constant 0 : index
    %swap3A_16 = arith.constant 0 : index
    %swap3A_17 = vector.load %arg2[%swap3A_15, %swap3A_16] : memref<1x1xf32, #tpu.memory_space<vmem>>, vector<1x1xf32>
    tpu.vector_store %arg2[%swap3A_15, %swap3A_16], %reshape3A {strides = array<i32>} : memref<1x1xf32, #tpu.memory_space<vmem>>, vector<1x1xf32>,
    return
  }
}

module attributes {stable_mosaic.version = 14 : i64} {
  func.func @_dist_body(%arg0: i32, %arg1: i32, %arg2: memref<2048x256xf32, #tpu.memory_space<vmem>>, %arg3: memref<1024x256xf32, #tpu.memory_space<vmem>>, %arg4: memref<2048x1024xf32, #tpu.memory_space<vmem>>, %arg5: memref<2048x128xi32, #tpu.memory_space<vmem>>, %arg6: memref<1x1xf32, #tpu.memory_space<vmem>>, %arg7: memref<2048x128xf32, #tpu.memory_space<vmem>>, %arg8: memref<2048x128xf32, #tpu.memory_space<vmem>>, %arg9: memref<1xf32, #tpu.memory_space<smem>>) attributes {dimension_semantics = [#tpu.dimension_semantics<arbitrary>, #tpu.dimension_semantics<arbitrary>], iteration_bounds = array<i64: 4, 8>, scalar_prefetch = 0 : i64, scratch_operands = 3 : i64, tpu.core_type = #tpu.core_type<tc>, window_params = [{transform_indices = @transform_0, window_bounds = array<i64: 2048, 256>}, {transform_indices = @transform_1, window_bounds = array<i64: 1024, 256>}, {transform_indices = @transform_2, window_bounds = array<i64: 2048, 1024>}, {transform_indices = @transform_3, window_bounds = array<i64: 2048, 128>}, {pipeline_mode = #tpu.pipeline_mode<synchronous>, transform_indices = @transform_4, window_bounds = array<i64: 1, 1>}]} {
    %get3A = arith.constant 0 : index
    %get3A_0 = arith.constant 0 : index
    %get3A_1 = vector.load %arg2[%get3A, %get3A_0] : memref<2048x256xf32, #tpu.memory_space<vmem>>, vector<2048x256xf32>
    %get3A_2 = arith.constant 0 : index
    %get3A_3 = arith.constant 0 : index
    %get3A_4 = vector.load %arg3[%get3A_2, %get3A_3] : memref<1024x256xf32, #tpu.memory_space<vmem>>, vector<1024x256xf32>
    %mul3A = arith.mulf %get3A_1, %get3A_1 : vector<2048x256xf32>
    %reduce_sum3A = arith.constant dense<0.000000e+00> : vector<2048xf32>
    %reduce_sum3A_5 = vector.multi_reduction <add>, %mul3A, %reduce_sum3A [1] : vector<2048x256xf32> to vector<2048xf32>
    %broadcast_in_dim3A = vector.shape_cast %reduce_sum3A_5 : vector<2048xf32> to vector<2048x1xf32>
    %mul3A_6 = arith.mulf %get3A_4, %get3A_4 : vector<1024x256xf32>
    %reduce_sum3A_7 = arith.constant dense<0.000000e+00> : vector<1024xf32>
    %reduce_sum3A_8 = vector.multi_reduction <add>, %mul3A_6, %reduce_sum3A_7 [1] : vector<1024x256xf32> to vector<1024xf32>
    %broadcast_in_dim3A_9 = vector.shape_cast %reduce_sum3A_8 : vector<1024xf32> to vector<1x1024xf32>
    %mul3A_10 = arith.constant -2.000000e+00 : f32
    %mul3A_11 = vector.broadcast %mul3A_10 : f32 to vector<2048x256xf32>
    %mul3A_12 = arith.mulf %mul3A_11, %get3A_1 : vector<2048x256xf32>
    %dot_general3A = arith.constant dense<0.000000e+00> : vector<2048x1024xf32>
    %dot_general3A_13 = tpu.matmul %mul3A_12, %get3A_4, %dot_general3A {dimension_numbers = #tpu.dot_dimension_numbers<[1], [1], [0], [0], [0, 0, 1, 0], [], []>, transpose_lhs_hint = false} : vector<2048x256xf32>, vector<1024x256xf32>, vector<2048x1024xf32> -> vector<2048x1024xf32>
    %add3A = vector.broadcast %broadcast_in_dim3A : vector<2048x1xf32> to vector<2048x1024xf32>
    %add3A_14 = vector.broadcast %broadcast_in_dim3A_9 : vector<1x1024xf32> to vector<2048x1024xf32>
    %add3A_15 = arith.addf %add3A, %add3A_14 : vector<2048x1024xf32>
    %add3A_16 = arith.addf %add3A_15, %dot_general3A_13 : vector<2048x1024xf32>
    %swap3A = arith.constant 0 : index
    %swap3A_17 = arith.constant 0 : index
    %swap3A_18 = vector.load %arg4[%swap3A, %swap3A_17] : memref<2048x1024xf32, #tpu.memory_space<vmem>>, vector<2048x1024xf32>
    tpu.vector_store %arg4[%swap3A, %swap3A_17], %add3A_16 {strides = array<i32>} : memref<2048x1024xf32, #tpu.memory_space<vmem>>, vector<2048x1024xf32>,
    %eq3A = arith.constant 0 : i32
    %eq3A_19 = arith.cmpi eq, %arg1, %eq3A : i32
    %convert_element_type3A = arith.extui %eq3A_19 : i1 to i32
    %cond3A = arith.constant 0 : i32
    %cond3A_20 = arith.cmpi ne, %convert_element_type3A, %cond3A : i32
    scf.if %cond3A_20 {
      %broadcast_in_dim3A_231 = arith.constant 0x7F800000 : f32
      %broadcast_in_dim3A_232 = vector.broadcast %broadcast_in_dim3A_231 : f32 to vector<2048x128xf32>
      %swap3A_233 = arith.constant 0 : index
      %swap3A_234 = arith.constant 0 : index
      %swap3A_235 = vector.load %arg7[%swap3A_233, %swap3A_234] : memref<2048x128xf32, #tpu.memory_space<vmem>>, vector<2048x128xf32>
      tpu.vector_store %arg7[%swap3A_233, %swap3A_234], %broadcast_in_dim3A_232 {strides = array<i32>} : memref<2048x128xf32, #tpu.memory_space<vmem>>, vector<2048x128xf32>,
      %broadcast_in_dim3A_236 = arith.constant 1.07374182E+9 : f32
      %broadcast_in_dim3A_237 = vector.broadcast %broadcast_in_dim3A_236 : f32 to vector<2048x128xf32>
      %swap3A_238 = arith.constant 0 : index
      %swap3A_239 = arith.constant 0 : index
      %swap3A_240 = vector.load %arg8[%swap3A_238, %swap3A_239] : memref<2048x128xf32, #tpu.memory_space<vmem>>, vector<2048x128xf32>
      tpu.vector_store %arg8[%swap3A_238, %swap3A_239], %broadcast_in_dim3A_237 {strides = array<i32>} : memref<2048x128xf32, #tpu.memory_space<vmem>>, vector<2048x128xf32>,
    } else {
    }
    %eq3A_21 = arith.constant 0 : i32
    %eq3A_22 = arith.cmpi eq, %arg0, %eq3A_21 : i32
    %eq3A_23 = arith.constant 0 : i32
    %eq3A_24 = arith.cmpi eq, %arg1, %eq3A_23 : i32
    %and3A = arith.andi %eq3A_22, %eq3A_24 : i1
    %convert_element_type3A_25 = arith.extui %and3A : i1 to i32
    %cond3A_26 = arith.constant 0 : i32
    %cond3A_27 = arith.cmpi ne, %convert_element_type3A_25, %cond3A_26 : i32
    scf.if %cond3A_27 {
      %swap3A_231 = arith.constant 0.000000e+00 : f32
      %swap3A_232 = arith.constant 0 : index
      %swap3A_233 = memref.load %arg9[%swap3A_232] : memref<1xf32, #tpu.memory_space<smem>>
      memref.store %swap3A_231, %arg9[%swap3A_232] : memref<1xf32, #tpu.memory_space<smem>>
    } else {
    }
    %iota3A = tpu.iota {dimensions = array<i32: 1>} : vector<2048x1024xi32>
    %mul3A_28 = arith.constant 1024 : i32
    %mul3A_29 = arith.muli %arg1, %mul3A_28 : i32
    %add3A_30 = vector.broadcast %mul3A_29 : i32 to vector<2048x1024xi32>
    %add3A_31 = arith.addi %iota3A, %add3A_30 : vector<2048x1024xi32>
    %convert_element_type3A_32 = arith.sitofp %add3A_31 : vector<2048x1024xi32> to vector<2048x1024xf32>
    %reduce_min3A = arith.constant dense<0x7F800000> : vector<2048xf32>
    %reduce_min3A_33 = vector.multi_reduction <minimumf>, %add3A_16, %reduce_min3A [1] : vector<2048x1024xf32> to vector<2048xf32>
    %broadcast_in_dim3A_34 = vector.shape_cast %reduce_min3A_33 : vector<2048xf32> to vector<2048x1xf32>
    %eq3A_35 = vector.broadcast %broadcast_in_dim3A_34 : vector<2048x1xf32> to vector<2048x1024xf32>
    %eq3A_36 = arith.cmpf oeq, %add3A_16, %eq3A_35 : vector<2048x1024xf32>
    %jit3A = arith.constant 1.07374182E+9 : f32
    %broadcast_in_dim3A_37 = vector.broadcast %jit3A : f32 to vector<2048x1024xf32>
    %select_n3A = arith.select %eq3A_36, %convert_element_type3A_32, %broadcast_in_dim3A_37 : vector<2048x1024xi1>, vector<2048x1024xf32>
    %reduce_min3A_38 = arith.constant dense<0x7F800000> : vector<2048xf32>
    %reduce_min3A_39 = vector.multi_reduction <minimumf>, %select_n3A, %reduce_min3A_38 [1] : vector<2048x1024xf32> to vector<2048xf32>
    %broadcast_in_dim3A_40 = vector.shape_cast %reduce_min3A_39 : vector<2048xf32> to vector<2048x1xf32>
    %eq3A_41 = vector.broadcast %broadcast_in_dim3A_40 : vector<2048x1xf32> to vector<2048x1024xf32>
    %eq3A_42 = arith.cmpf oeq, %convert_element_type3A_32, %eq3A_41 : vector<2048x1024xf32>
    %jit3A_43 = arith.constant 0x7F800000 : f32
    %broadcast_in_dim3A_44 = vector.broadcast %jit3A_43 : f32 to vector<2048x1024xf32>
    %select_n3A_45 = arith.select %eq3A_42, %broadcast_in_dim3A_44, %add3A_16 : vector<2048x1024xi1>, vector<2048x1024xf32>
    %reduce_min3A_46 = arith.constant dense<0x7F800000> : vector<2048xf32>
    %reduce_min3A_47 = vector.multi_reduction <minimumf>, %select_n3A_45, %reduce_min3A_46 [1] : vector<2048x1024xf32> to vector<2048xf32>
    %broadcast_in_dim3A_48 = vector.shape_cast %reduce_min3A_47 : vector<2048xf32> to vector<2048x1xf32>
    %eq3A_49 = vector.broadcast %broadcast_in_dim3A_48 : vector<2048x1xf32> to vector<2048x1024xf32>
    %eq3A_50 = arith.cmpf oeq, %select_n3A_45, %eq3A_49 : vector<2048x1024xf32>
    %jit3A_51 = arith.constant 1.07374182E+9 : f32
    %broadcast_in_dim3A_52 = vector.broadcast %jit3A_51 : f32 to vector<2048x1024xf32>
    %select_n3A_53 = arith.select %eq3A_50, %convert_element_type3A_32, %broadcast_in_dim3A_52 : vector<2048x1024xi1>, vector<2048x1024xf32>
    %reduce_min3A_54 = arith.constant dense<0x7F800000> : vector<2048xf32>
    %reduce_min3A_55 = vector.multi_reduction <minimumf>, %select_n3A_53, %reduce_min3A_54 [1] : vector<2048x1024xf32> to vector<2048xf32>
    %broadcast_in_dim3A_56 = vector.shape_cast %reduce_min3A_55 : vector<2048xf32> to vector<2048x1xf32>
    %eq3A_57 = vector.broadcast %broadcast_in_dim3A_56 : vector<2048x1xf32> to vector<2048x1024xf32>
    %eq3A_58 = arith.cmpf oeq, %convert_element_type3A_32, %eq3A_57 : vector<2048x1024xf32>
    %jit3A_59 = arith.constant 0x7F800000 : f32
    %broadcast_in_dim3A_60 = vector.broadcast %jit3A_59 : f32 to vector<2048x1024xf32>
    %select_n3A_61 = arith.select %eq3A_58, %broadcast_in_dim3A_60, %select_n3A_45 : vector<2048x1024xi1>, vector<2048x1024xf32>
    %reduce_min3A_62 = arith.constant dense<0x7F800000> : vector<2048xf32>
    %reduce_min3A_63 = vector.multi_reduction <minimumf>, %select_n3A_61, %reduce_min3A_62 [1] : vector<2048x1024xf32> to vector<2048xf32>
    %broadcast_in_dim3A_64 = vector.shape_cast %reduce_min3A_63 : vector<2048xf32> to vector<2048x1xf32>
    %eq3A_65 = vector.broadcast %broadcast_in_dim3A_64 : vector<2048x1xf32> to vector<2048x1024xf32>
    %eq3A_66 = arith.cmpf oeq, %select_n3A_61, %eq3A_65 : vector<2048x1024xf32>
    %jit3A_67 = arith.constant 1.07374182E+9 : f32
    %broadcast_in_dim3A_68 = vector.broadcast %jit3A_67 : f32 to vector<2048x1024xf32>
    %select_n3A_69 = arith.select %eq3A_66, %convert_element_type3A_32, %broadcast_in_dim3A_68 : vector<2048x1024xi1>, vector<2048x1024xf32>
    %reduce_min3A_70 = arith.constant dense<0x7F800000> : vector<2048xf32>
    %reduce_min3A_71 = vector.multi_reduction <minimumf>, %select_n3A_69, %reduce_min3A_70 [1] : vector<2048x1024xf32> to vector<2048xf32>
    %broadcast_in_dim3A_72 = vector.shape_cast %reduce_min3A_71 : vector<2048xf32> to vector<2048x1xf32>
    %iota3A_73 = tpu.iota {dimensions = array<i32: 1>} : vector<2048x128xi32>
    %broadcast_in_dim3A_74 = arith.constant 0x7F800000 : f32
    %broadcast_in_dim3A_75 = vector.broadcast %broadcast_in_dim3A_74 : f32 to vector<2048x128xf32>
    %broadcast_in_dim3A_76 = arith.constant 1.07374182E+9 : f32
    %broadcast_in_dim3A_77 = vector.broadcast %broadcast_in_dim3A_76 : f32 to vector<2048x128xf32>
    %eq3A_78 = arith.constant 5 : i32
    %eq3A_79 = vector.broadcast %eq3A_78 : i32 to vector<2048x128xi32>
    %eq3A_80 = arith.cmpi eq, %iota3A_73, %eq3A_79 : vector<2048x128xi32>
    %broadcast_in_dim3A_81 = vector.shape_cast %broadcast_in_dim3A_64 : vector<2048x1xf32> to vector<2048x1xf32>
    %broadcast_in_dim3A_82 = vector.broadcast %broadcast_in_dim3A_81 : vector<2048x1xf32> to vector<2048x128xf32>
    %select_n3A_83 = arith.select %eq3A_80, %broadcast_in_dim3A_82, %broadcast_in_dim3A_75 : vector<2048x128xi1>, vector<2048x128xf32>
    %eq3A_84 = arith.constant 5 : i32
    %eq3A_85 = vector.broadcast %eq3A_84 : i32 to vector<2048x128xi32>
    %eq3A_86 = arith.cmpi eq, %iota3A_73, %eq3A_85 : vector<2048x128xi32>
    %broadcast_in_dim3A_87 = vector.shape_cast %broadcast_in_dim3A_72 : vector<2048x1xf32> to vector<2048x1xf32>
    %broadcast_in_dim3A_88 = vector.broadcast %broadcast_in_dim3A_87 : vector<2048x1xf32> to vector<2048x128xf32>
    %select_n3A_89 = arith.select %eq3A_86, %broadcast_in_dim3A_88, %broadcast_in_dim3A_77 : vector<2048x128xi1>, vector<2048x128xf32>
    %eq3A_90 = arith.constant 4 : i32
    %eq3A_91 = vector.broadcast %eq3A_90 : i32 to vector<2048x128xi32>
    %eq3A_92 = arith.cmpi eq, %iota3A_73, %eq3A_91 : vector<2048x128xi32>
    %broadcast_in_dim3A_93 = vector.shape_cast %broadcast_in_dim3A_48 : vector<2048x1xf32> to vector<2048x1xf32>
    %broadcast_in_dim3A_94 = vector.broadcast %broadcast_in_dim3A_93 : vector<2048x1xf32> to vector<2048x128xf32>
    %select_n3A_95 = arith.select %eq3A_92, %broadcast_in_dim3A_94, %select_n3A_83 : vector<2048x128xi1>, vector<2048x128xf32>
    %eq3A_96 = arith.constant 4 : i32
    %eq3A_97 = vector.broadcast %eq3A_96 : i32 to vector<2048x128xi32>
    %eq3A_98 = arith.cmpi eq, %iota3A_73, %eq3A_97 : vector<2048x128xi32>
    %broadcast_in_dim3A_99 = vector.shape_cast %broadcast_in_dim3A_56 : vector<2048x1xf32> to vector<2048x1xf32>
    %broadcast_in_dim3A_100 = vector.broadcast %broadcast_in_dim3A_99 : vector<2048x1xf32> to vector<2048x128xf32>
    %select_n3A_101 = arith.select %eq3A_98, %broadcast_in_dim3A_100, %select_n3A_89 : vector<2048x128xi1>, vector<2048x128xf32>
    %eq3A_102 = arith.constant 3 : i32
    %eq3A_103 = vector.broadcast %eq3A_102 : i32 to vector<2048x128xi32>
    %eq3A_104 = arith.cmpi eq, %iota3A_73, %eq3A_103 : vector<2048x128xi32>
    %broadcast_in_dim3A_105 = vector.shape_cast %broadcast_in_dim3A_34 : vector<2048x1xf32> to vector<2048x1xf32>
    %broadcast_in_dim3A_106 = vector.broadcast %broadcast_in_dim3A_105 : vector<2048x1xf32> to vector<2048x128xf32>
    %select_n3A_107 = arith.select %eq3A_104, %broadcast_in_dim3A_106, %select_n3A_95 : vector<2048x128xi1>, vector<2048x128xf32>
    %eq3A_108 = arith.constant 3 : i32
    %eq3A_109 = vector.broadcast %eq3A_108 : i32 to vector<2048x128xi32>
    %eq3A_110 = arith.cmpi eq, %iota3A_73, %eq3A_109 : vector<2048x128xi32>
    %broadcast_in_dim3A_111 = vector.shape_cast %broadcast_in_dim3A_40 : vector<2048x1xf32> to vector<2048x1xf32>
    %broadcast_in_dim3A_112 = vector.broadcast %broadcast_in_dim3A_111 : vector<2048x1xf32> to vector<2048x128xf32>
    %select_n3A_113 = arith.select %eq3A_110, %broadcast_in_dim3A_112, %select_n3A_101 : vector<2048x128xi1>, vector<2048x128xf32>
    %iota3A_114 = tpu.iota {dimensions = array<i32: 1>} : vector<2048x128xi32>
    %lt3A = arith.constant 3 : i32
    %lt3A_115 = vector.broadcast %lt3A : i32 to vector<2048x128xi32>
    %lt3A_116 = arith.cmpi slt, %iota3A_114, %lt3A_115 : vector<2048x128xi32>
    %get3A_117 = arith.constant 0 : index
    %get3A_118 = arith.constant 0 : index
    %get3A_119 = vector.load %arg7[%get3A_117, %get3A_118] : memref<2048x128xf32, #tpu.memory_space<vmem>>, vector<2048x128xf32>
    %select_n3A_120 = arith.select %lt3A_116, %get3A_119, %select_n3A_107 : vector<2048x128xi1>, vector<2048x128xf32>
    %lt3A_121 = arith.constant 3 : i32
    %lt3A_122 = vector.broadcast %lt3A_121 : i32 to vector<2048x128xi32>
    %lt3A_123 = arith.cmpi slt, %iota3A_114, %lt3A_122 : vector<2048x128xi32>
    %get3A_124 = arith.constant 0 : index
    %get3A_125 = arith.constant 0 : index
    %get3A_126 = vector.load %arg8[%get3A_124, %get3A_125] : memref<2048x128xf32, #tpu.memory_space<vmem>>, vector<2048x128xf32>
    %select_n3A_127 = arith.select %lt3A_123, %get3A_126, %select_n3A_113 : vector<2048x128xi1>, vector<2048x128xf32>
    %reduce_min3A_128 = arith.constant dense<0x7F800000> : vector<2048xf32>
    %reduce_min3A_129 = vector.multi_reduction <minimumf>, %select_n3A_120, %reduce_min3A_128 [1] : vector<2048x128xf32> to vector<2048xf32>
    %broadcast_in_dim3A_130 = vector.shape_cast %reduce_min3A_129 : vector<2048xf32> to vector<2048x1xf32>
    %eq3A_131 = vector.broadcast %broadcast_in_dim3A_130 : vector<2048x1xf32> to vector<2048x128xf32>
    %eq3A_132 = arith.cmpf oeq, %select_n3A_120, %eq3A_131 : vector<2048x128xf32>
    %jit3A_133 = arith.constant 1.07374182E+9 : f32
    %broadcast_in_dim3A_134 = vector.broadcast %jit3A_133 : f32 to vector<2048x128xf32>
    %select_n3A_135 = arith.select %eq3A_132, %select_n3A_127, %broadcast_in_dim3A_134 : vector<2048x128xi1>, vector<2048x128xf32>
    %reduce_min3A_136 = arith.constant dense<0x7F800000> : vector<2048xf32>
    %reduce_min3A_137 = vector.multi_reduction <minimumf>, %select_n3A_135, %reduce_min3A_136 [1] : vector<2048x128xf32> to vector<2048xf32>
    %broadcast_in_dim3A_138 = vector.shape_cast %reduce_min3A_137 : vector<2048xf32> to vector<2048x1xf32>
    %eq3A_139 = vector.broadcast %broadcast_in_dim3A_138 : vector<2048x1xf32> to vector<2048x128xf32>
    %eq3A_140 = arith.cmpf oeq, %select_n3A_127, %eq3A_139 : vector<2048x128xf32>
    %jit3A_141 = arith.constant 0x7F800000 : f32
    %broadcast_in_dim3A_142 = vector.broadcast %jit3A_141 : f32 to vector<2048x128xf32>
    %select_n3A_143 = arith.select %eq3A_140, %broadcast_in_dim3A_142, %select_n3A_120 : vector<2048x128xi1>, vector<2048x128xf32>
    %reduce_min3A_144 = arith.constant dense<0x7F800000> : vector<2048xf32>
    %reduce_min3A_145 = vector.multi_reduction <minimumf>, %select_n3A_143, %reduce_min3A_144 [1] : vector<2048x128xf32> to vector<2048xf32>
    %broadcast_in_dim3A_146 = vector.shape_cast %reduce_min3A_145 : vector<2048xf32> to vector<2048x1xf32>
    %eq3A_147 = vector.broadcast %broadcast_in_dim3A_146 : vector<2048x1xf32> to vector<2048x128xf32>
    %eq3A_148 = arith.cmpf oeq, %select_n3A_143, %eq3A_147 : vector<2048x128xf32>
    %jit3A_149 = arith.constant 1.07374182E+9 : f32
    %broadcast_in_dim3A_150 = vector.broadcast %jit3A_149 : f32 to vector<2048x128xf32>
    %select_n3A_151 = arith.select %eq3A_148, %select_n3A_127, %broadcast_in_dim3A_150 : vector<2048x128xi1>, vector<2048x128xf32>
    %reduce_min3A_152 = arith.constant dense<0x7F800000> : vector<2048xf32>
    %reduce_min3A_153 = vector.multi_reduction <minimumf>, %select_n3A_151, %reduce_min3A_152 [1] : vector<2048x128xf32> to vector<2048xf32>
    %broadcast_in_dim3A_154 = vector.shape_cast %reduce_min3A_153 : vector<2048xf32> to vector<2048x1xf32>
    %eq3A_155 = vector.broadcast %broadcast_in_dim3A_154 : vector<2048x1xf32> to vector<2048x128xf32>
    %eq3A_156 = arith.cmpf oeq, %select_n3A_127, %eq3A_155 : vector<2048x128xf32>
    %jit3A_157 = arith.constant 0x7F800000 : f32
    %broadcast_in_dim3A_158 = vector.broadcast %jit3A_157 : f32 to vector<2048x128xf32>
    %select_n3A_159 = arith.select %eq3A_156, %broadcast_in_dim3A_158, %select_n3A_143 : vector<2048x128xi1>, vector<2048x128xf32>
    %reduce_min3A_160 = arith.constant dense<0x7F800000> : vector<2048xf32>
    %reduce_min3A_161 = vector.multi_reduction <minimumf>, %select_n3A_159, %reduce_min3A_160 [1] : vector<2048x128xf32> to vector<2048xf32>
    %broadcast_in_dim3A_162 = vector.shape_cast %reduce_min3A_161 : vector<2048xf32> to vector<2048x1xf32>
    %eq3A_163 = vector.broadcast %broadcast_in_dim3A_162 : vector<2048x1xf32> to vector<2048x128xf32>
    %eq3A_164 = arith.cmpf oeq, %select_n3A_159, %eq3A_163 : vector<2048x128xf32>
    %jit3A_165 = arith.constant 1.07374182E+9 : f32
    %broadcast_in_dim3A_166 = vector.broadcast %jit3A_165 : f32 to vector<2048x128xf32>
    %select_n3A_167 = arith.select %eq3A_164, %select_n3A_127, %broadcast_in_dim3A_166 : vector<2048x128xi1>, vector<2048x128xf32>
    %reduce_min3A_168 = arith.constant dense<0x7F800000> : vector<2048xf32>
    %reduce_min3A_169 = vector.multi_reduction <minimumf>, %select_n3A_167, %reduce_min3A_168 [1] : vector<2048x128xf32> to vector<2048xf32>
    %broadcast_in_dim3A_170 = vector.shape_cast %reduce_min3A_169 : vector<2048xf32> to vector<2048x1xf32>
    %iota3A_171 = tpu.iota {dimensions = array<i32: 1>} : vector<2048x128xi32>
    %broadcast_in_dim3A_172 = arith.constant 0x7F800000 : f32
    %broadcast_in_dim3A_173 = vector.broadcast %broadcast_in_dim3A_172 : f32 to vector<2048x128xf32>
    %broadcast_in_dim3A_174 = arith.constant 1.07374182E+9 : f32
    %broadcast_in_dim3A_175 = vector.broadcast %broadcast_in_dim3A_174 : f32 to vector<2048x128xf32>
    %eq3A_176 = arith.constant 2 : i32
    %eq3A_177 = vector.broadcast %eq3A_176 : i32 to vector<2048x128xi32>
    %eq3A_178 = arith.cmpi eq, %iota3A_171, %eq3A_177 : vector<2048x128xi32>
    %broadcast_in_dim3A_179 = vector.shape_cast %broadcast_in_dim3A_162 : vector<2048x1xf32> to vector<2048x1xf32>
    %broadcast_in_dim3A_180 = vector.broadcast %broadcast_in_dim3A_179 : vector<2048x1xf32> to vector<2048x128xf32>
    %select_n3A_181 = arith.select %eq3A_178, %broadcast_in_dim3A_180, %broadcast_in_dim3A_173 : vector<2048x128xi1>, vector<2048x128xf32>
    %eq3A_182 = arith.constant 2 : i32
    %eq3A_183 = vector.broadcast %eq3A_182 : i32 to vector<2048x128xi32>
    %eq3A_184 = arith.cmpi eq, %iota3A_171, %eq3A_183 : vector<2048x128xi32>
    %broadcast_in_dim3A_185 = vector.shape_cast %broadcast_in_dim3A_170 : vector<2048x1xf32> to vector<2048x1xf32>
    %broadcast_in_dim3A_186 = vector.broadcast %broadcast_in_dim3A_185 : vector<2048x1xf32> to vector<2048x128xf32>
    %select_n3A_187 = arith.select %eq3A_184, %broadcast_in_dim3A_186, %broadcast_in_dim3A_175 : vector<2048x128xi1>, vector<2048x128xf32>
    %eq3A_188 = arith.constant 1 : i32
    %eq3A_189 = vector.broadcast %eq3A_188 : i32 to vector<2048x128xi32>
    %eq3A_190 = arith.cmpi eq, %iota3A_171, %eq3A_189 : vector<2048x128xi32>
    %broadcast_in_dim3A_191 = vector.shape_cast %broadcast_in_dim3A_146 : vector<2048x1xf32> to vector<2048x1xf32>
    %broadcast_in_dim3A_192 = vector.broadcast %broadcast_in_dim3A_191 : vector<2048x1xf32> to vector<2048x128xf32>
    %select_n3A_193 = arith.select %eq3A_190, %broadcast_in_dim3A_192, %select_n3A_181 : vector<2048x128xi1>, vector<2048x128xf32>
    %eq3A_194 = arith.constant 1 : i32
    %eq3A_195 = vector.broadcast %eq3A_194 : i32 to vector<2048x128xi32>
    %eq3A_196 = arith.cmpi eq, %iota3A_171, %eq3A_195 : vector<2048x128xi32>
    %broadcast_in_dim3A_197 = vector.shape_cast %broadcast_in_dim3A_154 : vector<2048x1xf32> to vector<2048x1xf32>
    %broadcast_in_dim3A_198 = vector.broadcast %broadcast_in_dim3A_197 : vector<2048x1xf32> to vector<2048x128xf32>
    %select_n3A_199 = arith.select %eq3A_196, %broadcast_in_dim3A_198, %select_n3A_187 : vector<2048x128xi1>, vector<2048x128xf32>
    %eq3A_200 = arith.constant 0 : i32
    %eq3A_201 = vector.broadcast %eq3A_200 : i32 to vector<2048x128xi32>
    %eq3A_202 = arith.cmpi eq, %iota3A_171, %eq3A_201 : vector<2048x128xi32>
    %broadcast_in_dim3A_203 = vector.shape_cast %broadcast_in_dim3A_130 : vector<2048x1xf32> to vector<2048x1xf32>
    %broadcast_in_dim3A_204 = vector.broadcast %broadcast_in_dim3A_203 : vector<2048x1xf32> to vector<2048x128xf32>
    %select_n3A_205 = arith.select %eq3A_202, %broadcast_in_dim3A_204, %select_n3A_193 : vector<2048x128xi1>, vector<2048x128xf32>
    %eq3A_206 = arith.constant 0 : i32
    %eq3A_207 = vector.broadcast %eq3A_206 : i32 to vector<2048x128xi32>
    %eq3A_208 = arith.cmpi eq, %iota3A_171, %eq3A_207 : vector<2048x128xi32>
    %broadcast_in_dim3A_209 = vector.shape_cast %broadcast_in_dim3A_138 : vector<2048x1xf32> to vector<2048x1xf32>
    %broadcast_in_dim3A_210 = vector.broadcast %broadcast_in_dim3A_209 : vector<2048x1xf32> to vector<2048x128xf32>
    %select_n3A_211 = arith.select %eq3A_208, %broadcast_in_dim3A_210, %select_n3A_199 : vector<2048x128xi1>, vector<2048x128xf32>
    %swap3A_212 = arith.constant 0 : index
    %swap3A_213 = arith.constant 0 : index
    %swap3A_214 = vector.load %arg7[%swap3A_212, %swap3A_213] : memref<2048x128xf32, #tpu.memory_space<vmem>>, vector<2048x128xf32>
    tpu.vector_store %arg7[%swap3A_212, %swap3A_213], %select_n3A_205 {strides = array<i32>} : memref<2048x128xf32, #tpu.memory_space<vmem>>, vector<2048x128xf32>,
    %swap3A_215 = arith.constant 0 : index
    %swap3A_216 = arith.constant 0 : index
    %swap3A_217 = vector.load %arg8[%swap3A_215, %swap3A_216] : memref<2048x128xf32, #tpu.memory_space<vmem>>, vector<2048x128xf32>
    tpu.vector_store %arg8[%swap3A_215, %swap3A_216], %select_n3A_211 {strides = array<i32>} : memref<2048x128xf32, #tpu.memory_space<vmem>>, vector<2048x128xf32>,
    %eq3A_218 = arith.constant 7 : i32
    %eq3A_219 = arith.cmpi eq, %arg1, %eq3A_218 : i32
    %convert_element_type3A_220 = arith.extui %eq3A_219 : i1 to i32
    %cond3A_221 = arith.constant 0 : i32
    %cond3A_222 = arith.cmpi ne, %convert_element_type3A_220, %cond3A_221 : i32
    scf.if %cond3A_222 {
      %get3A_231 = arith.constant 0 : index
      %get3A_232 = arith.constant 0 : index
      %get3A_233 = vector.load %arg8[%get3A_231, %get3A_232] : memref<2048x128xf32, #tpu.memory_space<vmem>>, vector<2048x128xf32>
      %convert_element_type3A_234 = arith.fptosi %get3A_233 : vector<2048x128xf32> to vector<2048x128xi32>
      %swap3A_235 = arith.constant 0 : index
      %swap3A_236 = arith.constant 0 : index
      %swap3A_237 = vector.load %arg5[%swap3A_235, %swap3A_236] : memref<2048x128xi32, #tpu.memory_space<vmem>>, vector<2048x128xi32>
      tpu.vector_store %arg5[%swap3A_235, %swap3A_236], %convert_element_type3A_234 {strides = array<i32>} : memref<2048x128xi32, #tpu.memory_space<vmem>>, vector<2048x128xi32>,
      %lt3A_238 = arith.constant 3 : i32
      %lt3A_239 = vector.broadcast %lt3A_238 : i32 to vector<2048x128xi32>
      %lt3A_240 = arith.cmpi slt, %iota3A_114, %lt3A_239 : vector<2048x128xi32>
      %get3A_241 = arith.constant 0 : index
      %get3A_242 = arith.constant 0 : index
      %get3A_243 = vector.load %arg7[%get3A_241, %get3A_242] : memref<2048x128xf32, #tpu.memory_space<vmem>>, vector<2048x128xf32>
      %jit3A_244 = arith.constant 0.000000e+00 : f32
      %broadcast_in_dim3A_245 = vector.broadcast %jit3A_244 : f32 to vector<2048x128xf32>
      %select_n3A_246 = arith.select %lt3A_240, %get3A_243, %broadcast_in_dim3A_245 : vector<2048x128xi1>, vector<2048x128xf32>
      %get3A_247 = arith.constant 0 : index
      %get3A_248 = memref.load %arg9[%get3A_247] : memref<1xf32, #tpu.memory_space<smem>>
      %reduce_sum3A_249 = vector.shape_cast %select_n3A_246 : vector<2048x128xf32> to vector<1x2048x128xf32>
      %reduce_sum3A_250 = arith.constant dense<0.000000e+00> : vector<1xf32>
      %reduce_sum3A_251 = vector.multi_reduction <add>, %reduce_sum3A_249, %reduce_sum3A_250 [1, 2] : vector<1x2048x128xf32> to vector<1xf32>
      %reduce_sum3A_252 = vector.shape_cast %reduce_sum3A_251 : vector<1xf32> to vector<1x1x1xf32>
      %reduce_sum3A_253 = vector.extract %reduce_sum3A_252[0, 0, 0] : f32 from vector<1x1x1xf32>
      %add3A_254 = arith.addf %get3A_248, %reduce_sum3A_253 : f32
      %swap3A_255 = arith.constant 0 : index
      %swap3A_256 = memref.load %arg9[%swap3A_255] : memref<1xf32, #tpu.memory_space<smem>>
      memref.store %add3A_254, %arg9[%swap3A_255] : memref<1xf32, #tpu.memory_space<smem>>
    } else {
    }
    %eq3A_223 = arith.constant 3 : i32
    %eq3A_224 = arith.cmpi eq, %arg0, %eq3A_223 : i32
    %eq3A_225 = arith.constant 7 : i32
    %eq3A_226 = arith.cmpi eq, %arg1, %eq3A_225 : i32
    %and3A_227 = arith.andi %eq3A_224, %eq3A_226 : i1
    %convert_element_type3A_228 = arith.extui %and3A_227 : i1 to i32
    %cond3A_229 = arith.constant 0 : i32
    %cond3A_230 = arith.cmpi ne, %convert_element_type3A_228, %cond3A_229 : i32
    scf.if %cond3A_230 {
      %get3A_231 = arith.constant 0 : index
      %get3A_232 = memref.load %arg9[%get3A_231] : memref<1xf32, #tpu.memory_space<smem>>
      %mul3A_233 = arith.constant 2.500000e-01 : f32
      %mul3A_234 = arith.mulf %mul3A_233, %get3A_232 : f32
      %div3A = arith.constant 0x4AC00000 : f32
      %div3A_235 = arith.divf %mul3A_234, %div3A : f32
      %reshape3A = vector.broadcast %div3A_235 : f32 to vector<1x1xf32>
      %swap3A_236 = arith.constant 0 : index
      %swap3A_237 = arith.constant 0 : index
      %swap3A_238 = vector.load %arg6[%swap3A_236, %swap3A_237] : memref<1x1xf32, #tpu.memory_space<vmem>>, vector<1x1xf32>
      tpu.vector_store %arg6[%swap3A_236, %swap3A_237], %reshape3A {strides = array<i32>} : memref<1x1xf32, #tpu.memory_space<vmem>>, vector<1x1xf32>,
    } else {
    }
    return
  }
  func.func @transform_0(%arg0: i32, %arg1: i32) -> (i32, i32) {
    %c0_i32 = arith.constant 0 : i32
    %c0_i32_0 = arith.constant 0 : i32
    return %arg0, %c0_i32 : i32, i32
  }
  func.func @transform_1(%arg0: i32, %arg1: i32) -> (i32, i32) {
    %c0_i32 = arith.constant 0 : i32
    %c0_i32_0 = arith.constant 0 : i32
    return %arg1, %c0_i32 : i32, i32
  }
  func.func @transform_2(%arg0: i32, %arg1: i32) -> (i32, i32) {
    %c0_i32 = arith.constant 0 : i32
    return %arg0, %arg1 : i32, i32
  }
  func.func @transform_3(%arg0: i32, %arg1: i32) -> (i32, i32) {
    %c0_i32 = arith.constant 0 : i32
    %c0_i32_0 = arith.constant 0 : i32
    return %arg0, %c0_i32 : i32, i32
  }
  func.func @transform_4(%arg0: i32, %arg1: i32) -> (i32, i32) {
    %c0_i32 = arith.constant 0 : i32
    %c0_i32_0 = arith.constant 0 : i32
    %c0_i32_1 = arith.constant 0 : i32
    return %c0_i32, %c0_i32_0 : i32, i32
  }
}

</mosaic_0001>

<sc_bundles>
// kernel: kernel.5.cloned.1.call-start
scs
__scs_entry_jumppad:
0x0: {  	(pc) =	sbr.rel $0x88, $3  }
0x1: {  	(tag) =	ssettag $0x0;
	lr =	simm.s32 $0x1  }
0x2: {  	[smem:$0x3F9F] =	sst lr;
	_ =	strace $0xD0000000  }
0x3: {  	_ = 	snop  }
0x4: {  	_ = 	snop  }
0x5: {  	_ = 	snop  }
0x6: {  	_ = 	snop  }
0x7: {  	_ = 	snop  }
__scs_overlays_trampoline_lowered:
0x8: {  	[smem:$0x3FAE] =	sst s0  }
0x9: {  	[smem:$0x3FAF] =	sst s1  }
0xa: {  	[smem:$0x3FB0] =	sst s2  }
0xb: {  	[smem:$0x3FB1] =	sst s3  }
0xc: {  	[smem:$0x3FB2] =	sst s4  }
0xd: {  	[smem:$0x3FB3] =	sst s5  }
0xe: {  	[smem:$0x3FB4] =	sst s6  }
0xf: {  	[smem:$0x3FB5] =	sst s7  }
0x10: {  	[smem:$0x3FB6] =	sst s8  }
0x11: {  	[smem:$0x3FB7] =	sst s9;
	s0 =	simm.s32 @!p0 $0x0  }
0x12: {  	s1 =	sld [smem:$0x3F9D];
	s0 =	simm.s32 @p0 $0x1  }
0x13: {  	[smem:$0x3FB8] =	sst s0;
	s0 =	simm.s32 @!p1 $0x0  }
0x14: {  	s2 =	sld [smem:$0x3F9C];
	s0 =	simm.s32 @p1 $0x1  }
0x15: {  	[smem:$0x3FB9] =	sst s0;
	s0 =	simm.s32 @!p2 $0x0  }
0x16: {  	s3 =	sld [smem:$0x3FDB];
	s0 =	simm.s32 @p2 $0x1  }
0x17: {  	s4 =	simm.s32 $0x1BF5;
	[smem:$0x3FBB] =	sst s0  }
0x18: {  	s0 =	sld [smem:$0x3F9E];
	_ =	swait.ge [sflag:s4], $0x0  }
0x19: {  	s7 =	sld [smem:$0x3F9F]  }
0x1a: {  	s8 =	sadd.s32 $0xFFFFE003, lr  }
0x1b: {  	s9 =	sadd.s32 $0xFFFFFEF7, lr;
	s5 =	simm.s32 $0xFFFFFFFF;
	p2 =	slt.u32 s8, $0xFFFFF086  }
0x1c: {  	p1 =	slt.u32 s9, $0xF7A;
	s5 =	simm.s32 @!p2 $0x0  }
0x1d: {  	s5 =	simm.s32 @p1 $0x1;
	p0 =	seq.s32 s7, s2  }
0x1e: {  	s7 =	smul.u32 @!p0 $0xF7A, s2;
	p2 =	seq.s32 @!p0 s5, $0x0  }
0x1f: {  	s9 =	smul.u32 $0xF7A, s1;
	s8 =	simm.s32 @!p0 $0x1BF5;
	p2 =	por !p2, p0  }
0x20: {  	[sflag:s8] =	ssyncset.s32 @!p0 $0xFFFFF086;
	s6 =	sadd.s32 @!p0 s3, s7;
	s7 =	simm.s32 @!p0 $0x108  }
0x21: {  	s3 =	sadd.s32 s3, s9;
	s6 =	sadd.s32 @!p0 $0x88, s6;
	s7 =	simm.s32 @p2 $0x1082  }
0x22: {  	[simem:s7], [sflag:s8] =	dma.local @!p0 [hbm:s6], $0xF7A  }
0x23: {  	s9 =	sor.u32 $0xD0000000, s2;
	s6 =	simm.s32 $0x108;
	_ =	swait.ge @!p0 [sflag:s8], $0x0  }
0x24: {  	s3 =	sadd.s32 $0x88, s3;
	s6 =	simm.s32 @!p1 $0x1082;
	[sflag:s4] =	ssyncset.s32 $0xFFFFF086  }
0x25: {  	[simem:s6], [sflag:s4] =	dma.local [hbm:s3], $0xF7A  }
0x26: {  	[smem:$0x3F9F] =	sst s1;
	(tag) =	ssettag s2;
	_ =	strace s9  }
0x27: {  	s1 =	sld [smem:$0x3FAF]  }
0x28: {  	s2 =	sld [smem:$0x3FB0]  }
0x29: {  	s4 =	sld [smem:$0x3FB2]  }
0x2a: {  	p0 =	seq.s32 s5, $0x0;
	s5 =	sld [smem:$0x3FB3]  }
0x2b: {  	s6 =	sld [smem:$0x3FB4]  }
0x2c: {  	s7 =	sld [smem:$0x3FB5]  }
0x2d: {  	s3 =	simm.s32 $0x108;
	s8 =	sld [smem:$0x3FB6]  }
0x2e: {  	s3 =	simm.s32 @!p0 $0x1082;
	s9 =	sld [smem:$0x3FB7]  }
0x2f: {  	lr =	sadd.s32 s0, s3;
	s0 =	sld [smem:$0x3FAE]  }
0x30: {  	s3 =	sld [smem:$0x3FB1]  }
0x31: {  	[smem:$0x3FBA] =	sst s10  }
0x32: {  	s10 =	sld [smem:$0x3FB8];
	_ =	sdelay $0x3  }
0x33: {  	p0 =	seq.s32 s10, $0x1;
	s10 =	sld [smem:$0x3FBA];
	_ =	sdelay $0x3  }
0x34: {  	[smem:$0x3FBA] =	sst s10  }
0x35: {  	s10 =	sld [smem:$0x3FB9];
	_ =	sdelay $0x3  }
0x36: {  	p1 =	seq.s32 s10, $0x1;
	s10 =	sld [smem:$0x3FBA];
	_ =	sdelay $0x3  }
0x37: {  	[smem:$0x3FBA] =	sst s10  }
0x38: {  	s10 =	sld [smem:$0x3FBB]  }
0x39: {  	_ = 	snop;
	(pc) =	sbr.ind lr, $3  }
0x3a: {  	_ = 	snop  }
0x3b: {  	_ = 	snop  }
0x3c: {  	p2 =	seq.s32 s10, $0x1;
	s10 =	sld [smem:$0x3FBA]  }
0x3d: {  	_ =	shalt  }
0x3e: {  	_ =	shalt  }
0x3f: {  	_ =	shalt  }
0x40: {  	_ =	shalt  }
0x41: {  	_ =	shalt  }
0x42: {  	_ =	shalt  }
0x43: {  	_ =	shalt  }
0x44: {  	_ =	shalt  }
0x45: {  	_ =	shalt  }
0x46: {  	_ =	shalt  }
0x47: {  	_ =	shalt  }
0x48: {  	_ =	shalt  }
0x49: {  	_ =	shalt  }
0x4a: {  	_ =	shalt  }
0x4b: {  	_ =	shalt  }
0x4c: {  	_ =	shalt  }
0x4d: {  	_ =	shalt  }
0x4e: {  	_ =	shalt  }
0x4f: {  	_ =	shalt  }
0x50: {  	_ =	shalt  }
0x51: {  	_ =	shalt  }
0x52: {  	_ =	shalt  }
0x53: {  	_ =	shalt  }
0x54: {  	_ =	shalt  }
0x55: {  	_ =	shalt  }
0x56: {  	_ =	shalt  }
0x57: {  	_ =	shalt  }
0x58: {  	_ =	shalt  }
0x59: {  	_ =	shalt  }
0x5a: {  	_ =	shalt  }
0x5b: {  	_ =	shalt  }
0x5c: {  	_ =	shalt  }
0x5d: {  	_ =	shalt  }
0x5e: {  	_ =	shalt  }
0x5f: {  	_ =	shalt  }
0x60: {  	_ =	shalt  }
0x61: {  	_ =	shalt  }
0x62: {  	_ =	shalt  }
0x63: {  	_ =	shalt  }
0x64: {  	_ =	shalt  }
0x65: {  	_ =	shalt  }
0x66: {  	_ =	shalt  }
0x67: {  	_ =	shalt  }
0x68: {  	_ =	shalt  }
0x69: {  	_ =	shalt  }
0x6a: {  	_ =	shalt  }
0x6b: {  	_ =	shalt  }
0x6c: {  	_ =	shalt  }
0x6d: {  	_ =	shalt  }
0x6e: {  	_ =	shalt  }
0x6f: {  	_ =	shalt  }
0x70: {  	_ =	shalt  }
0x71: {  	_ =	shalt  }
0x72: {  	_ =	shalt  }
0x73: {  	_ =	shalt  }
0x74: {  	_ =	shalt  }
0x75: {  	_ =	shalt  }
0x76: {  	_ =	shalt  }
0x77: {  	_ =	shalt  }
0x78: {  	_ =	shalt  }
0x79: {  	_ =	shalt  }
0x7a: {  	_ =	shalt  }
0x7b: {  	_ =	shalt  }
0x7c: {  	_ =	shalt  }
0x7d: {  	_ =	shalt  }
0x7e: {  	_ =	shalt  }
0x7f: {  	_ =	shalt  }
0x80: {  	_ =	shalt  }
0x81: {  	_ =	shalt  }
0x82: {  	_ =	shalt  }
0x83: {  	_ =	shalt  }
0x84: {  	_ =	shalt  }
0x85: {  	_ =	shalt  }
0x86: {  	_ =	shalt  }
0x87: {  	_ =	shalt  }
.Lfunc_end0:
.L_simem_size_0:
called_computation_lowered:
.L_overlay_start_0:
0x88: {  	s2 =	sld [smem:$0x3FD9]  }
0x89: {  	s3 =	sld [smem:$0x3FFE];
	_ =	sdelay $0x1  }
0x8a: {  	s1 =	srdreg.scid  }
0x8b: {  	s0 =	sand.u32 $0x1, s1  }
0x8c: {  	s14 =	sshll.u32 s0, $0xA;
	s2 =	sadd.s32 s3, s2  }
0x8d: {  	s2 =	sadd.s32 s2, s14  }
0x8e: {  	[smem:$0x3FC6] =	sst s2  }
0x8f: {  	_ = 	snop  }
0x90: {  	s2 =	sld [smem:$0x3FD0];
	_ =	sdelay $0x2  }
0x91: {  	s4 =	simm.s32 $0xA;
	s5 =	simm.s32 $0x10;
	s15 =	sld [smem:$0x3FC8]  }
0x92: {  	[smem:s5], [sflag:s4] =	dma.local [hbm:s2], $0x1  }
0x93: {  	_ =	swait.eq [sflag:s4], $0x1  }
0x94: {  	[sflag:s4] =	ssyncset.done $0x0  }
0x95: {  	[sflag:s4] =	ssyncadd.s32 $0xFFFFFFFF  }
0x96: {  	s16 =	sld [smem:$0x11];
	(tm) =	ssettm $0x1  }
0x97: {  	s17 =	sld [smem:$0x3FFB];
	_ =	sdelay $0x3  }
0x98: {  	_ =	strace s17  }
0x99: {  	s4 =	sld [smem:$0x3FFC];
	_ =	sdelay $0x3  }
0x9a: {  	_ =	strace s4  }
0x9b: {  	s4 =	sld [smem:$0x3FFD];
	_ =	sdelay $0x3  }
0x9c: {  	_ =	strace s4  }
0x9d: {  	_ =	strace $0x8FFFFFFF  }
0x9e: {  	s18 =	sld [smem:$0x3FDB];
	_ =	sdelay $0x1  }
0x9f: {  	s19 =	simm.s32 $_scs_section_size  }
0xa0: {  	s6 =	simm.s32 $_size__tile_overlayer_lowered;
	s7 =	simm.s32 $_tile_overlayer_lowered  }
0xa1: {  	s22 =	simm.s32 $0x1BFF;
	s21 =	sshll.u32 s7, $0x1;
	s4 =	sadd.s32 s19, s18  }
0xa2: {  	s8 =	simm.s32 $0x0;
	s20 =	sshll.u32 s6, $0x1;
	s6 =	sadd.s32 s21, s4  }
0xa3: {  	[timem:s8], [sflag:s22] =	dma.local [hbm:s6], s20  }
0xa4: {  	_ =	swait.ge [sflag:s22], s20  }
0xa5: {  	s5 =	ssub.s32 $0x0, s20;
	[sflag:s22] =	ssyncset.done $0x0  }
0xa6: {  	[sflag:s22] =	ssyncadd.s32 s5;
	_ =	sdelay $0x1  }
0xa7: {  	s23 =	simm.s32 $0x1B8B  }
0xa8: {  	_ =	swait.ge [sflag:s23], $0x1  }
0xa9: {  	[sflag:s23] =	ssyncset.done $0x0  }
0xaa: {  	s25 =	simm.s32 $0x1B8E;
	s24 =	sld [smem:$0x3FFE];
	[sflag:s23] =	ssyncadd.s32 $0xFFFFFFFF  }
0xab: {  	s26 =	simm.s32 $execute0_lowered;
	[smem:$0x3FD2] =	sst s25  }
0xac: {  	s6 =	sshll.u32 s26, $0x1;
	_ =	strace $0x80000046;
	[dreg:$0x1] =	wrdreg $0xFFFFFFFF  }
0xad: {  	s28 =	simm.s32 $_size_execute0_lowered;
	s4 =	sadd.s32 s4, s6;
	[dreg:$0x0] =	wrdreg $0x0  }
0xae: {  	s6 =	sshll.u32 s28, $0x1;
	[dreg:$0x2] =	wrdreg s4  }
0xaf: {  	[dreg:$0x3] =	wrdreg s6  }
0xb0: {  	[dreg:$0x4] =	wrdreg $0xC0  }
0xb1: {  	_ =	task [dreg:s8], $0x5FFFF  }
0xb2: {  	[dreg:$0x1] =	wrdreg $0xFFFFFFFF  }
0xb3: {  	[dreg:$0x0] =	wrdreg $0x60  }
0xb4: {  	[dreg:$0x2] =	wrdreg s15  }
0xb5: {  	[dreg:$0x3] =	wrdreg s24  }
0xb6: {  	[dreg:$0x4] =	wrdreg s16  }
0xb7: {  	[dreg:$0x5] =	wrdreg $0x9  }
0xb8: {  	_ =	task.clear_ibuf [dreg:s8], $0x6FFFF;
	_ =	strace $0x90000046  }
0xb9: {  	s29 =	simm.s32 $0x9;
	_ =	strace $0x80000048  }
0xba: {  	_ =	swait.ge [sflag:s29], $0x1  }
0xbb: {  	[sflag:s29] =	ssyncadd.s32 $0xFFFFFFFF  }
0xbc: {  	_ =	strace $0x90000048  }
0xbd: {  	_ =	sfence  }
0xbe: {  	s30 =	sld [smem:$0x0];
	_ =	sdelay $0x2  }
0xbf: {  	s31 =	sshll.u32 s1, $0xD;
	s1 =	sshrl.u32 s1, $0x2  }
0xc0: {  	s3 =	sand.u32 $0x4000, s31;
	s1 =	sadd.s32 s1, s30  }
0xc1: {  	s0 =	sor.u32 s3, s0;
	s1 =	sshll.u32 s1, $0x11  }
0xc2: {  	s0 =	sor.u32 s1, s0  }
0xc3: {  	s0 =	sadd.s32 $0x8F2B, s0  }
0xc4: {  	[sflag:s0] =	ssyncadd.remote.s32 $0x1  }
0xc5: {  	_ =	sfence.sel $0xFFFF  }
0xc6: {  	[dreg:$0x0] =	wrdreg $0xFFFFFFFF;
	(pc) =	sbr.abs _section_cstart, $3  }
0xc7: {  	[dreg:$0x1] =	wrdreg $0xFFFFFFFF  }
0xc8: {  	_ =	task.clear_ibuf [dreg:s8], $0x2FFFF;
	_ =	strace $0x9FFFFFFF  }
0xc9: {  	(tm) =	ssettm $0x7FFFFFFF  }
tec
execute0_lowered:
.L_overlay_start_1:
0x0: {  	(tag) =	ssettag $0x1  }
0x1: {  	s1 =	rddreg [dreg:$0x0]  }
0x2: {  	s0 =	srdreg.scid;
	s2 =	rddreg [dreg:$0x1]  }
0x3: {  	s7 =	stileid.u32;
	s4 =	rddreg [dreg:$0x2];
	s19 =	simm.s32 $0x1  }
0x4: {  	s20 =	simm.s32 $0x10300;
	s21 =	simm.s32 $0x3;
	s22 =	simm.s32 $0x2  }
0x5: {  	s31 =	simm.s32 $0x300;
	s28 =	simm.s32 $0x1300;
	s29 =	simm.s32 $0x1B00  }
0x6: {  	s30 =	simm.s32 $0x2300;
	s13 =	simm.s32 $0x3300;
	s11 =	simm.s32 $0x6B00  }
0x7: {  	s12 =	simm.s32 $0x7300;
	s15 =	simm.s32 $0x8B00;
	s16 =	simm.s32 $0x9300  }
0x8: {  	s17 =	simm.s32 $0x9B00;
	s0 =	sand.u32 $0x1, s0;
	s3 =	sshll.u32 s7, $0x1  }
0x9: {  	s18 =	simm.s32 $0xA300;
	s7 =	sshll.u32 s7, $0xB;
	s5 =	sor.u32 s0, s3  }
0xa: {  	s3 =	simm.s32 $0x0;
	s0 =	ssub.s32 $0x2, s0;
	s6 =	smul.u32 $0x60, s5  }
0xb: {  	s7 =	sand.u32 $0x6000, s7;
	[smem:$0x7FF] =	sst s3;
	s8 =	smul.u32 $0x6000, s5  }
0xc: {  	s9 =	sshrl.u32 s0, $0x1;
	s10 =	smul.u32 $0x30000, s5;
	s5 =	sshll.u32 s5, $0x4  }
0xd: {  	_ =	strace $0x80000047;
	s0 =	ssub.s32 s0, s9;
	s5 =	sand.u32 $0x70, s5  }
0xe: {  	s9 =	simm.s32 $0x5B00;
	s6 =	sadd.s32 s6, s2;
	s2 =	sadd.s32 s7, s2  }
0xf: {  	s23 =	sadd.s32 s4, s8;
	s24 =	sshrl.u32 s10, $0x3;
	s0 =	smax.u32 s0, $0x1  }
0x10: {  	s8 =	simm.s32 $0x5300;
	s10 =	simm.s32 $0x6300;
	[dreg:$0x5] =	wrdreg s23  }
0x11: {  	s6 =	sadd.s32 $0x1200, s6;
	s7 =	sadd.s32 $0x1000, s23;
	[dreg:$0xc] =	wrdreg s0  }
0x12: {  	s4 =	sadd.s32 s4, s24;
	s2 =	sadd.s32 s5, s2;
	[dreg:$0x4] =	wrdreg s6  }
0x13: {  	s0 =	simm.s32 $0x5;
	[dreg:$0x6] =	wrdreg s7;
	s6 =	sadd.s32 $0x2000, s4  }
0x14: {  	s23 =	simm.s32 $0x4;
	s25 =	sadd.s32 $0x3000, s4;
	[dreg:$0x7] =	wrdreg s6  }
0x15: {  	s24 =	simm.s32 $0x0;
	s26 =	sadd.s32 $0x4000, s4;
	[dreg:$0x8] =	wrdreg s25  }
0x16: {  	v3 =	vlaneseq.u32;
	v0 =	vimm.f32 $0.0e+00;
	s5 =	simm.s32 $0x7B00;
	s4 =	sadd.s32 $0x5000, s4;
	[dreg:$0x9] =	wrdreg s26  }
0x17: {  	vm0 =	vmmov $0xffff;
	v4 =	vimm.f32 $1.000000000e+00;
	v2 =	vshrl.u32 v3, $0x3;
	s2 =	sadd.s32 $0x1E00, s2;
	s7 =	simm.s32 $0x4B00;
	[dreg:$0xa] =	wrdreg s4  }
0x18: {  	v1 =	vand.u32 $0x7, v3;
	v3 =	vor.u32 $0x8, v3;
	v2 =	vmul.u32 $0x8, v2;
	[dreg:$0xb] =	wrdreg s2;
	s4 =	simm.s32 $0x3B00;
	s6 =	simm.s32 $0x4300  }
.LBB2_1:
0x19: {  	s25 =	rddreg [dreg:$0x4]  }
0x1a: {  	[tilespmem:s3], [sflag:$0x5] =	stream.linear.gather [hbm4b:s25+s3], $0x300, $0x38;
	[tilespmem:$0x12300] =	vst v63  }
0x1b: {  	_ =	swait.ge [sflag:s0], $0x300  }
0x1c: {  	[sflag:s0] =	ssyncset.done $0x0  }
0x1d: {  	s26 =	simm.s32 $0x0;
	s25 =	simm.s32 $0x40;
	[sflag:s0] =	ssyncadd.s32 $0xFFFFFD00  }
.LBB2_2:
0x1e: {  	p0 =	sne.s32 s25, $0x7FC0;
	[tilespmem:s26+$0x10300] =	vst v0;
	s26 =	smov.u32 s25;
	s25 =	sadd.s32 $0x40, s25  }
.Ltmp0:
0x1f: {  	(pc) =	sbr.rel @p0 .LBB2_2-.Ltmp0, $2  }
0x20: {  	_ =	sdelay $0x2  }
0x21: {  	s26 =	sshra.s32 s26, $0x2  }
0x22: {  	[tilespmem:s26+$0x10300] =	vst v0  }
0x23: {  	v5 =	vld [tilespmem:$0x0];
	_ =	sdelay $0x4  }
0x24: {  	v6 =	vshll.u32 v5, $0x1  }
0x25: {  	v5 =	vand.u32 $0x7, v5;
	v6 =	vand.u32 $0xFFFFFFF0, v6  }
0x26: {  	v5 =	vor.u32 v5, v6  }
0x27: {  	v6 =	vperm.xlane v5, v1;
	_ =	sdelay $0x1  }
0x28: {  	v5 =	vperm.xlane v5, v3;
	v6 =	vadd.s32 v2, v6;
	_ =	sdelay $0x1  }
0x29: {  	v5 =	vadd.s32 v2, v5;
	_ =	sdelay $0x2  }
0x2a: {  	[tilespmem:s31], [sflag:$0x1] =	stream.indirect_vreg.gather [hbm4b:s1+s3], $0x80, v6, vm0, $0xb8;
	[tilespmem:$0x12300] =	vst v63  }
0x2b: {  	s26 =	simm.s32 $0xB00  }
0x2c: {  	[tilespmem:s26], [sflag:$0x1] =	stream.indirect_vreg.gather [hbm4b:s1+s3], $0x80, v5, vm0, $0xb8;
	[tilespmem:$0x12300] =	vst v63  }
0x2d: {  	v5 =	vld [tilespmem:$0x10];
	_ =	sdelay $0x4  }
0x2e: {  	v6 =	vshll.u32 v5, $0x1  }
0x2f: {  	v5 =	vand.u32 $0x7, v5;
	v6 =	vand.u32 $0xFFFFFFF0, v6  }
0x30: {  	v5 =	vor.u32 v5, v6  }
0x31: {  	v6 =	vperm.xlane v5, v1;
	_ =	sdelay $0x1  }
0x32: {  	v5 =	vperm.xlane v5, v3;
	v6 =	vadd.s32 v2, v6;
	_ =	sdelay $0x1  }
0x33: {  	v5 =	vadd.s32 v2, v5;
	_ =	sdelay $0x2  }
0x34: {  	[tilespmem:s28], [sflag:$0x1] =	stream.indirect_vreg.gather [hbm4b:s1+s3], $0x80, v6, vm0, $0xb8;
	[tilespmem:$0x12300] =	vst v63  }
0x35: {  	_ = 	snop  }
0x36: {  	[tilespmem:s29], [sflag:$0x1] =	stream.indirect_vreg.gather [hbm4b:s1+s3], $0x80, v5, vm0, $0xb8;
	[tilespmem:$0x12300] =	vst v63  }
0x37: {  	v5 =	vld [tilespmem:$0x20];
	_ =	sdelay $0x4  }
0x38: {  	v6 =	vshll.u32 v5, $0x1  }
0x39: {  	v5 =	vand.u32 $0x7, v5;
	v6 =	vand.u32 $0xFFFFFFF0, v6  }
0x3a: {  	v5 =	vor.u32 v5, v6  }
0x3b: {  	v6 =	vperm.xlane v5, v1;
	_ =	sdelay $0x1  }
0x3c: {  	v5 =	vperm.xlane v5, v3;
	v6 =	vadd.s32 v2, v6;
	_ =	sdelay $0x1  }
0x3d: {  	v5 =	vadd.s32 v2, v5;
	_ =	sdelay $0x2  }
0x3e: {  	[tilespmem:s30], [sflag:$0x1] =	stream.indirect_vreg.gather [hbm4b:s1+s3], $0x80, v6, vm0, $0xb8;
	[tilespmem:$0x12300] =	vst v63  }
0x3f: {  	s2 =	simm.s32 $0x2B00  }
0x40: {  	[tilespmem:s2], [sflag:$0x1] =	stream.indirect_vreg.gather [hbm4b:s1+s3], $0x80, v5, vm0, $0xb8;
	[tilespmem:$0x12300] =	vst v63  }
0x41: {  	v5 =	vld [tilespmem:$0x30];
	_ =	sdelay $0x4  }
0x42: {  	v6 =	vshll.u32 v5, $0x1  }
0x43: {  	v5 =	vand.u32 $0x7, v5;
	v6 =	vand.u32 $0xFFFFFFF0, v6  }
0x44: {  	v5 =	vor.u32 v5, v6  }
0x45: {  	v6 =	vperm.xlane v5, v1;
	_ =	sdelay $0x1  }
0x46: {  	v5 =	vperm.xlane v5, v3;
	v6 =	vadd.s32 v2, v6;
	_ =	sdelay $0x1  }
0x47: {  	v5 =	vadd.s32 v2, v5;
	_ =	sdelay $0x2  }
0x48: {  	[tilespmem:s13], [sflag:$0x1] =	stream.indirect_vreg.gather [hbm4b:s1+s3], $0x80, v6, vm0, $0xb8;
	[tilespmem:$0x12300] =	vst v63  }
0x49: {  	_ = 	snop  }
0x4a: {  	[tilespmem:s4], [sflag:$0x1] =	stream.indirect_vreg.gather [hbm4b:s1+s3], $0x80, v5, vm0, $0xb8;
	[tilespmem:$0x12300] =	vst v63  }
0x4b: {  	v5 =	vld [tilespmem:$0x40];
	_ =	sdelay $0x4  }
0x4c: {  	v6 =	vshll.u32 v5, $0x1  }
0x4d: {  	v5 =	vand.u32 $0x7, v5;
	v6 =	vand.u32 $0xFFFFFFF0, v6  }
0x4e: {  	v5 =	vor.u32 v5, v6  }
0x4f: {  	v6 =	vperm.xlane v5, v1;
	_ =	sdelay $0x1  }
0x50: {  	v5 =	vperm.xlane v5, v3;
	v6 =	vadd.s32 v2, v6;
	_ =	sdelay $0x1  }
0x51: {  	v5 =	vadd.s32 v2, v5;
	_ =	sdelay $0x2  }
0x52: {  	[tilespmem:s6], [sflag:$0x1] =	stream.indirect_vreg.gather [hbm4b:s1+s3], $0x80, v6, vm0, $0xb8;
	[tilespmem:$0x12300] =	vst v63  }
0x53: {  	_ = 	snop  }
0x54: {  	[tilespmem:s7], [sflag:$0x1] =	stream.indirect_vreg.gather [hbm4b:s1+s3], $0x80, v5, vm0, $0xb8;
	[tilespmem:$0x12300] =	vst v63  }
0x55: {  	v5 =	vld [tilespmem:$0x50];
	_ =	sdelay $0x4  }
0x56: {  	v6 =	vshll.u32 v5, $0x1  }
0x57: {  	v5 =	vand.u32 $0x7, v5;
	v6 =	vand.u32 $0xFFFFFFF0, v6  }
0x58: {  	v5 =	vor.u32 v5, v6  }
0x59: {  	v6 =	vperm.xlane v5, v1;
	_ =	sdelay $0x1  }
0x5a: {  	v5 =	vperm.xlane v5, v3;
	v6 =	vadd.s32 v2, v6;
	_ =	sdelay $0x1  }
0x5b: {  	v5 =	vadd.s32 v2, v5;
	_ =	sdelay $0x2  }
0x5c: {  	[tilespmem:s8], [sflag:$0x1] =	stream.indirect_vreg.gather [hbm4b:s1+s3], $0x80, v6, vm0, $0xb8;
	[tilespmem:$0x12300] =	vst v63  }
0x5d: {  	_ = 	snop  }
0x5e: {  	[tilespmem:s9], [sflag:$0x1] =	stream.indirect_vreg.gather [hbm4b:s1+s3], $0x80, v5, vm0, $0xb8;
	[tilespmem:$0x12300] =	vst v63  }
0x5f: {  	v5 =	vld [tilespmem:$0x60];
	_ =	sdelay $0x4  }
0x60: {  	v6 =	vshll.u32 v5, $0x1  }
0x61: {  	v5 =	vand.u32 $0x7, v5;
	v6 =	vand.u32 $0xFFFFFFF0, v6  }
0x62: {  	v5 =	vor.u32 v5, v6  }
0x63: {  	v6 =	vperm.xlane v5, v1;
	_ =	sdelay $0x1  }
0x64: {  	v5 =	vperm.xlane v5, v3;
	v6 =	vadd.s32 v2, v6;
	_ =	sdelay $0x1  }
0x65: {  	v5 =	vadd.s32 v2, v5;
	_ =	sdelay $0x2  }
0x66: {  	[tilespmem:s10], [sflag:$0x1] =	stream.indirect_vreg.gather [hbm4b:s1+s3], $0x80, v6, vm0, $0xb8;
	[tilespmem:$0x12300] =	vst v63  }
0x67: {  	_ = 	snop  }
0x68: {  	[tilespmem:s11], [sflag:$0x1] =	stream.indirect_vreg.gather [hbm4b:s1+s3], $0x80, v5, vm0, $0xb8;
	[tilespmem:$0x12300] =	vst v63  }
0x69: {  	v5 =	vld [tilespmem:$0x70];
	_ =	sdelay $0x4  }
0x6a: {  	v6 =	vshll.u32 v5, $0x1  }
0x6b: {  	v5 =	vand.u32 $0x7, v5;
	v6 =	vand.u32 $0xFFFFFFF0, v6  }
0x6c: {  	v5 =	vor.u32 v5, v6  }
0x6d: {  	v6 =	vperm.xlane v5, v1;
	_ =	sdelay $0x1  }
0x6e: {  	v5 =	vperm.xlane v5, v3;
	v6 =	vadd.s32 v2, v6;
	_ =	sdelay $0x1  }
0x6f: {  	v5 =	vadd.s32 v2, v5;
	_ =	sdelay $0x2  }
0x70: {  	[tilespmem:s12], [sflag:$0x1] =	stream.indirect_vreg.gather [hbm4b:s1+s3], $0x80, v6, vm0, $0xb8;
	[tilespmem:$0x12300] =	vst v63  }
0x71: {  	_ = 	snop  }
0x72: {  	[tilespmem:s5], [sflag:$0x1] =	stream.indirect_vreg.gather [hbm4b:s1+s3], $0x80, v5, vm0, $0xb8;
	[tilespmem:$0x12300] =	vst v63  }
0x73: {  	v5 =	vld [tilespmem:$0x80];
	_ =	sdelay $0x4  }
0x74: {  	v6 =	vshll.u32 v5, $0x1  }
0x75: {  	v5 =	vand.u32 $0x7, v5;
	v6 =	vand.u32 $0xFFFFFFF0, v6  }
0x76: {  	v5 =	vor.u32 v5, v6  }
0x77: {  	v6 =	vperm.xlane v5, v1;
	_ =	sdelay $0x1  }
0x78: {  	v5 =	vperm.xlane v5, v3;
	v6 =	vadd.s32 v2, v6;
	_ =	sdelay $0x1  }
0x79: {  	v5 =	vadd.s32 v2, v5;
	_ =	sdelay $0x1  }
0x7a: {  	s0 =	simm.s32 $0x8300  }
0x7b: {  	[tilespmem:s0], [sflag:$0x2] =	stream.indirect_vreg.gather [hbm4b:s1+s3], $0x80, v6, vm0, $0xb8;
	[tilespmem:$0x12300] =	vst v63  }
0x7c: {  	_ = 	snop  }
0x7d: {  	[tilespmem:s15], [sflag:$0x2] =	stream.indirect_vreg.gather [hbm4b:s1+s3], $0x80, v5, vm0, $0xb8;
	[tilespmem:$0x12300] =	vst v63  }
0x7e: {  	v5 =	vld [tilespmem:$0x90];
	_ =	sdelay $0x4  }
0x7f: {  	v6 =	vshll.u32 v5, $0x1  }
0x80: {  	v5 =	vand.u32 $0x7, v5;
	v6 =	vand.u32 $0xFFFFFFF0, v6  }
0x81: {  	v5 =	vor.u32 v5, v6  }
0x82: {  	v6 =	vperm.xlane v5, v1;
	_ =	sdelay $0x1  }
0x83: {  	v5 =	vperm.xlane v5, v3;
	v6 =	vadd.s32 v2, v6;
	_ =	sdelay $0x1  }
0x84: {  	v5 =	vadd.s32 v2, v5;
	_ =	sdelay $0x2  }
0x85: {  	[tilespmem:s16], [sflag:$0x2] =	stream.indirect_vreg.gather [hbm4b:s1+s3], $0x80, v6, vm0, $0xb8;
	[tilespmem:$0x12300] =	vst v63  }
0x86: {  	_ = 	snop  }
0x87: {  	[tilespmem:s17], [sflag:$0x2] =	stream.indirect_vreg.gather [hbm4b:s1+s3], $0x80, v5, vm0, $0xb8;
	[tilespmem:$0x12300] =	vst v63  }
0x88: {  	v5 =	vld [tilespmem:$0xA0];
	_ =	sdelay $0x4  }
0x89: {  	v6 =	vshll.u32 v5, $0x1  }
0x8a: {  	v5 =	vand.u32 $0x7, v5;
	v6 =	vand.u32 $0xFFFFFFF0, v6  }
0x8b: {  	v5 =	vor.u32 v5, v6  }
0x8c: {  	v6 =	vperm.xlane v5, v1;
	_ =	sdelay $0x1  }
0x8d: {  	v5 =	vperm.xlane v5, v3;
	v6 =	vadd.s32 v2, v6;
	_ =	sdelay $0x1  }
0x8e: {  	v5 =	vadd.s32 v2, v5;
	_ =	sdelay $0x2  }
0x8f: {  	[tilespmem:s18], [sflag:$0x2] =	stream.indirect_vreg.gather [hbm4b:s1+s3], $0x80, v6, vm0, $0xb8;
	[tilespmem:$0x12300] =	vst v63  }
0x90: {  	s14 =	simm.s32 $0xAB00  }
0x91: {  	[tilespmem:s14], [sflag:$0x2] =	stream.indirect_vreg.gather [hbm4b:s1+s3], $0x80, v5, vm0, $0xb8;
	[tilespmem:$0x12300] =	vst v63  }
0x92: {  	v5 =	vld [tilespmem:$0xB0];
	_ =	sdelay $0x4  }
0x93: {  	v6 =	vshll.u32 v5, $0x1  }
0x94: {  	v5 =	vand.u32 $0x7, v5;
	v6 =	vand.u32 $0xFFFFFFF0, v6  }
0x95: {  	v5 =	vor.u32 v5, v6  }
0x96: {  	v6 =	vperm.xlane v5, v1;
	_ =	sdelay $0x1  }
0x97: {  	v5 =	vperm.xlane v5, v3;
	v6 =	vadd.s32 v2, v6;
	_ =	sdelay $0x1  }
0x98: {  	v5 =	vadd.s32 v2, v5;
	_ =	sdelay $0x1  }
0x99: {  	s14 =	simm.s32 $0xB300  }
0x9a: {  	[tilespmem:s14], [sflag:$0x2] =	stream.indirect_vreg.gather [hbm4b:s1+s3], $0x80, v6, vm0, $0xb8;
	[tilespmem:$0x12300] =	vst v63  }
0x9b: {  	s25 =	simm.s32 $0xBB00  }
0x9c: {  	[tilespmem:s25], [sflag:$0x2] =	stream.indirect_vreg.gather [hbm4b:s1+s3], $0x80, v5, vm0, $0xb8;
	[tilespmem:$0x12300] =	vst v63  }
0x9d: {  	v5 =	vld [tilespmem:$0xC0];
	_ =	sdelay $0x4  }
0x9e: {  	v6 =	vshll.u32 v5, $0x1  }
0x9f: {  	v5 =	vand.u32 $0x7, v5;
	v6 =	vand.u32 $0xFFFFFFF0, v6  }
0xa0: {  	v5 =	vor.u32 v5, v6  }
0xa1: {  	v6 =	vperm.xlane v5, v1;
	_ =	sdelay $0x1  }
0xa2: {  	v5 =	vperm.xlane v5, v3;
	v6 =	vadd.s32 v2, v6;
	_ =	sdelay $0x1  }
0xa3: {  	v5 =	vadd.s32 v2, v5;
	_ =	sdelay $0x1  }
0xa4: {  	s25 =	simm.s32 $0xC300  }
0xa5: {  	[tilespmem:s25], [sflag:$0x2] =	stream.indirect_vreg.gather [hbm4b:s1+s3], $0x80, v6, vm0, $0xb8;
	[tilespmem:$0x12300] =	vst v63  }
0xa6: {  	s25 =	simm.s32 $0xCB00  }
0xa7: {  	[tilespmem:s25], [sflag:$0x2] =	stream.indirect_vreg.gather [hbm4b:s1+s3], $0x80, v5, vm0, $0xb8;
	[tilespmem:$0x12300] =	vst v63  }
0xa8: {  	v5 =	vld [tilespmem:$0xD0];
	_ =	sdelay $0x4  }
0xa9: {  	v6 =	vshll.u32 v5, $0x1  }
0xaa: {  	v5 =	vand.u32 $0x7, v5;
	v6 =	vand.u32 $0xFFFFFFF0, v6  }
0xab: {  	v5 =	vor.u32 v5, v6  }
0xac: {  	v6 =	vperm.xlane v5, v1;
	_ =	sdelay $0x1  }
0xad: {  	v5 =	vperm.xlane v5, v3;
	v6 =	vadd.s32 v2, v6;
	_ =	sdelay $0x1  }
0xae: {  	v5 =	vadd.s32 v2, v5;
	_ =	sdelay $0x1  }
0xaf: {  	s25 =	simm.s32 $0xD300  }
0xb0: {  	[tilespmem:s25], [sflag:$0x2] =	stream.indirect_vreg.gather [hbm4b:s1+s3], $0x80, v6, vm0, $0xb8;
	[tilespmem:$0x12300] =	vst v63  }
0xb1: {  	s25 =	simm.s32 $0xDB00  }
0xb2: {  	[tilespmem:s25], [sflag:$0x2] =	stream.indirect_vreg.gather [hbm4b:s1+s3], $0x80, v5, vm0, $0xb8;
	[tilespmem:$0x12300] =	vst v63  }
0xb3: {  	v5 =	vld [tilespmem:$0xE0];
	_ =	sdelay $0x4  }
0xb4: {  	v6 =	vshll.u32 v5, $0x1  }
0xb5: {  	v5 =	vand.u32 $0x7, v5;
	v6 =	vand.u32 $0xFFFFFFF0, v6  }
0xb6: {  	v5 =	vor.u32 v5, v6  }
0xb7: {  	v6 =	vperm.xlane v5, v1;
	_ =	sdelay $0x1  }
0xb8: {  	v5 =	vperm.xlane v5, v3;
	v6 =	vadd.s32 v2, v6;
	_ =	sdelay $0x1  }
0xb9: {  	v5 =	vadd.s32 v2, v5;
	_ =	sdelay $0x1  }
0xba: {  	s25 =	simm.s32 $0xE300  }
0xbb: {  	[tilespmem:s25], [sflag:$0x2] =	stream.indirect_vreg.gather [hbm4b:s1+s3], $0x80, v6, vm0, $0xb8;
	[tilespmem:$0x12300] =	vst v63  }
0xbc: {  	s25 =	simm.s32 $0xEB00  }
0xbd: {  	[tilespmem:s25], [sflag:$0x2] =	stream.indirect_vreg.gather [hbm4b:s1+s3], $0x80, v5, vm0, $0xb8;
	[tilespmem:$0x12300] =	vst v63  }
0xbe: {  	v5 =	vld [tilespmem:$0xF0];
	_ =	sdelay $0x4  }
0xbf: {  	v6 =	vshll.u32 v5, $0x1  }
0xc0: {  	v5 =	vand.u32 $0x7, v5;
	v6 =	vand.u32 $0xFFFFFFF0, v6  }
0xc1: {  	v5 =	vor.u32 v5, v6  }
0xc2: {  	v6 =	vperm.xlane v5, v1;
	_ =	sdelay $0x1  }
0xc3: {  	v5 =	vperm.xlane v5, v3;
	v6 =	vadd.s32 v2, v6;
	_ =	sdelay $0x1  }
0xc4: {  	v5 =	vadd.s32 v2, v5;
	_ =	sdelay $0x1  }
0xc5: {  	s25 =	simm.s32 $0xF300  }
0xc6: {  	[tilespmem:s25], [sflag:$0x2] =	stream.indirect_vreg.gather [hbm4b:s1+s3], $0x80, v6, vm0, $0xb8;
	[tilespmem:$0x12300] =	vst v63  }
0xc7: {  	s25 =	simm.s32 $0xFB00  }
0xc8: {  	[tilespmem:s25], [sflag:$0x2] =	stream.indirect_vreg.gather [hbm4b:s1+s3], $0x80, v5, vm0, $0xb8;
	[tilespmem:$0x12300] =	vst v63  }
0xc9: {  	_ =	swait.ge [sflag:s19], $0x8000  }
0xca: {  	[sflag:s19] =	ssyncset.done $0x0  }
0xcb: {  	s25 =	rddreg [dreg:$0x5];
	[sflag:s19] =	ssyncadd.s32 $0xFFFF8000  }
0xcc: {  	[hbm4b:s25+s3] =	stream.linear.scatter [tilespmem:s31], [sflag:$0x3], $0x8000, $0x38;
	[tilespmem:$0x12300] =	vst v63  }
0xcd: {  	v5 =	vld [tilespmem:$0x0];
	_ =	sdelay $0x7  }
0xce: {  	[tilespmem:v5+s20+$0x0] =	vst.idx.add.f32.msk $0xffff, v4  }
0xcf: {  	v5 =	vld [tilespmem:$0x10];
	_ =	sdelay $0x7  }
0xd0: {  	[tilespmem:v5+s20+$0x0] =	vst.idx.add.f32.msk $0xffff, v4  }
0xd1: {  	v5 =	vld [tilespmem:$0x20];
	_ =	sdelay $0x7  }
0xd2: {  	[tilespmem:v5+s20+$0x0] =	vst.idx.add.f32.msk $0xffff, v4  }
0xd3: {  	v5 =	vld [tilespmem:$0x30];
	_ =	sdelay $0x7  }
0xd4: {  	[tilespmem:v5+s20+$0x0] =	vst.idx.add.f32.msk $0xffff, v4  }
0xd5: {  	v5 =	vld [tilespmem:$0x40];
	_ =	sdelay $0x7  }
0xd6: {  	[tilespmem:v5+s20+$0x0] =	vst.idx.add.f32.msk $0xffff, v4  }
0xd7: {  	v5 =	vld [tilespmem:$0x50];
	_ =	sdelay $0x7  }
0xd8: {  	[tilespmem:v5+s20+$0x0] =	vst.idx.add.f32.msk $0xffff, v4  }
0xd9: {  	v5 =	vld [tilespmem:$0x60];
	_ =	sdelay $0x7  }
0xda: {  	[tilespmem:v5+s20+$0x0] =	vst.idx.add.f32.msk $0xffff, v4  }
0xdb: {  	v5 =	vld [tilespmem:$0x70];
	_ =	sdelay $0x7  }
0xdc: {  	[tilespmem:v5+s20+$0x0] =	vst.idx.add.f32.msk $0xffff, v4  }
0xdd: {  	_ =	swait.ge [sflag:s21], $0x8000  }
0xde: {  	[sflag:s21] =	ssyncset.done $0x0  }
0xdf: {  	[sflag:s21] =	ssyncadd.s32 $0xFFFF8000  }
0xe0: {  	v5 =	vld [tilespmem:$0x100];
	_ =	sdelay $0x4  }
0xe1: {  	v6 =	vshll.u32 v5, $0x1  }
0xe2: {  	v5 =	vand.u32 $0x7, v5;
	v6 =	vand.u32 $0xFFFFFFF0, v6  }
0xe3: {  	v5 =	vor.u32 v5, v6  }
0xe4: {  	v6 =	vperm.xlane v5, v1;
	_ =	sdelay $0x1  }
0xe5: {  	v5 =	vperm.xlane v5, v3;
	v6 =	vadd.s32 v2, v6;
	_ =	sdelay $0x1  }
0xe6: {  	v5 =	vadd.s32 v2, v5;
	_ =	sdelay $0x2  }
0xe7: {  	[tilespmem:s31], [sflag:$0x1] =	stream.indirect_vreg.gather [hbm4b:s1+s3], $0x80, v6, vm0, $0xb8;
	[tilespmem:$0x12300] =	vst v63  }
0xe8: {  	_ = 	snop  }
0xe9: {  	[tilespmem:s26], [sflag:$0x1] =	stream.indirect_vreg.gather [hbm4b:s1+s3], $0x80, v5, vm0, $0xb8;
	[tilespmem:$0x12300] =	vst v63  }
0xea: {  	v5 =	vld [tilespmem:$0x110];
	_ =	sdelay $0x4  }
0xeb: {  	v6 =	vshll.u32 v5, $0x1  }
0xec: {  	v5 =	vand.u32 $0x7, v5;
	v6 =	vand.u32 $0xFFFFFFF0, v6  }
0xed: {  	v5 =	vor.u32 v5, v6  }
0xee: {  	v6 =	vperm.xlane v5, v1;
	_ =	sdelay $0x1  }
0xef: {  	v5 =	vperm.xlane v5, v3;
	v6 =	vadd.s32 v2, v6;
	_ =	sdelay $0x1  }
0xf0: {  	v5 =	vadd.s32 v2, v5;
	_ =	sdelay $0x2  }
0xf1: {  	[tilespmem:s28], [sflag:$0x1] =	stream.indirect_vreg.gather [hbm4b:s1+s3], $0x80, v6, vm0, $0xb8;
	[tilespmem:$0x12300] =	vst v63  }
0xf2: {  	_ = 	snop  }
0xf3: {  	[tilespmem:s29], [sflag:$0x1] =	stream.indirect_vreg.gather [hbm4b:s1+s3], $0x80, v5, vm0, $0xb8;
	[tilespmem:$0x12300] =	vst v63  }
0xf4: {  	v5 =	vld [tilespmem:$0x120];
	_ =	sdelay $0x4  }
0xf5: {  	v6 =	vshll.u32 v5, $0x1  }
0xf6: {  	v5 =	vand.u32 $0x7, v5;
	v6 =	vand.u32 $0xFFFFFFF0, v6  }
0xf7: {  	v5 =	vor.u32 v5, v6  }
0xf8: {  	v6 =	vperm.xlane v5, v1;
	_ =	sdelay $0x1  }
0xf9: {  	v5 =	vperm.xlane v5, v3;
	v6 =	vadd.s32 v2, v6;
	_ =	sdelay $0x1  }
0xfa: {  	v5 =	vadd.s32 v2, v5;
	_ =	sdelay $0x2  }
0xfb: {  	[tilespmem:s30], [sflag:$0x1] =	stream.indirect_vreg.gather [hbm4b:s1+s3], $0x80, v6, vm0, $0xb8;
	[tilespmem:$0x12300] =	vst v63  }
0xfc: {  	_ = 	snop  }
0xfd: {  	[tilespmem:s2], [sflag:$0x1] =	stream.indirect_vreg.gather [hbm4b:s1+s3], $0x80, v5, vm0, $0xb8;
	[tilespmem:$0x12300] =	vst v63  }
0xfe: {  	v5 =	vld [tilespmem:$0x130];
	_ =	sdelay $0x4  }
0xff: {  	v6 =	vshll.u32 v5, $0x1  }
0x100: {  	v5 =	vand.u32 $0x7, v5;
	v6 =	vand.u32 $0xFFFFFFF0, v6  }
0x101: {  	v5 =	vor.u32 v5, v6  }
0x102: {  	v6 =	vperm.xlane v5, v1;
	_ =	sdelay $0x1  }
0x103: {  	v5 =	vperm.xlane v5, v3;
	v6 =	vadd.s32 v2, v6;
	_ =	sdelay $0x1  }
0x104: {  	v5 =	vadd.s32 v2, v5;
	_ =	sdelay $0x2  }
0x105: {  	[tilespmem:s13], [sflag:$0x1] =	stream.indirect_vreg.gather [hbm4b:s1+s3], $0x80, v6, vm0, $0xb8;
	[tilespmem:$0x12300] =	vst v63  }
0x106: {  	_ = 	snop  }
0x107: {  	[tilespmem:s4], [sflag:$0x1] =	stream.indirect_vreg.gather [hbm4b:s1+s3], $0x80, v5, vm0, $0xb8;
	[tilespmem:$0x12300] =	vst v63  }
0x108: {  	v5 =	vld [tilespmem:$0x140];
	_ =	sdelay $0x4  }
0x109: {  	v6 =	vshll.u32 v5, $0x1  }
0x10a: {  	v5 =	vand.u32 $0x7, v5;
	v6 =	vand.u32 $0xFFFFFFF0, v6  }
0x10b: {  	v5 =	vor.u32 v5, v6  }
0x10c: {  	v6 =	vperm.xlane v5, v1;
	_ =	sdelay $0x1  }
0x10d: {  	v5 =	vperm.xlane v5, v3;
	v6 =	vadd.s32 v2, v6;
	_ =	sdelay $0x1  }
0x10e: {  	v5 =	vadd.s32 v2, v5;
	_ =	sdelay $0x2  }
0x10f: {  	[tilespmem:s6], [sflag:$0x1] =	stream.indirect_vreg.gather [hbm4b:s1+s3], $0x80, v6, vm0, $0xb8;
	[tilespmem:$0x12300] =	vst v63  }
0x110: {  	_ = 	snop  }
0x111: {  	[tilespmem:s7], [sflag:$0x1] =	stream.indirect_vreg.gather [hbm4b:s1+s3], $0x80, v5, vm0, $0xb8;
	[tilespmem:$0x12300] =	vst v63  }
0x112: {  	v5 =	vld [tilespmem:$0x150];
	_ =	sdelay $0x4  }
0x113: {  	v6 =	vshll.u32 v5, $0x1  }
0x114: {  	v5 =	vand.u32 $0x7, v5;
	v6 =	vand.u32 $0xFFFFFFF0, v6  }
0x115: {  	v5 =	vor.u32 v5, v6  }
0x116: {  	v6 =	vperm.xlane v5, v1;
	_ =	sdelay $0x1  }
0x117: {  	v5 =	vperm.xlane v5, v3;
	v6 =	vadd.s32 v2, v6;
	_ =	sdelay $0x1  }
0x118: {  	v5 =	vadd.s32 v2, v5;
	_ =	sdelay $0x2  }
0x119: {  	[tilespmem:s8], [sflag:$0x1] =	stream.indirect_vreg.gather [hbm4b:s1+s3], $0x80, v6, vm0, $0xb8;
	[tilespmem:$0x12300] =	vst v63  }
0x11a: {  	_ = 	snop  }
0x11b: {  	[tilespmem:s9], [sflag:$0x1] =	stream.indirect_vreg.gather [hbm4b:s1+s3], $0x80, v5, vm0, $0xb8;
	[tilespmem:$0x12300] =	vst v63  }
0x11c: {  	v5 =	vld [tilespmem:$0x160];
	_ =	sdelay $0x4  }
0x11d: {  	v6 =	vshll.u32 v5, $0x1  }
0x11e: {  	v5 =	vand.u32 $0x7, v5;
	v6 =	vand.u32 $0xFFFFFFF0, v6  }
0x11f: {  	v5 =	vor.u32 v5, v6  }
0x120: {  	v6 =	vperm.xlane v5, v1;
	_ =	sdelay $0x1  }
0x121: {  	v5 =	vperm.xlane v5, v3;
	v6 =	vadd.s32 v2, v6;
	_ =	sdelay $0x1  }
0x122: {  	v5 =	vadd.s32 v2, v5;
	_ =	sdelay $0x2  }
0x123: {  	[tilespmem:s10], [sflag:$0x1] =	stream.indirect_vreg.gather [hbm4b:s1+s3], $0x80, v6, vm0, $0xb8;
	[tilespmem:$0x12300] =	vst v63  }
0x124: {  	_ = 	snop  }
0x125: {  	[tilespmem:s11], [sflag:$0x1] =	stream.indirect_vreg.gather [hbm4b:s1+s3], $0x80, v5, vm0, $0xb8;
	[tilespmem:$0x12300] =	vst v63  }
0x126: {  	v5 =	vld [tilespmem:$0x170];
	_ =	sdelay $0x4  }
0x127: {  	v6 =	vshll.u32 v5, $0x1  }
0x128: {  	v5 =	vand.u32 $0x7, v5;
	v6 =	vand.u32 $0xFFFFFFF0, v6  }
0x129: {  	v5 =	vor.u32 v5, v6  }
0x12a: {  	v6 =	vperm.xlane v5, v1;
	_ =	sdelay $0x1  }
0x12b: {  	v5 =	vperm.xlane v5, v3;
	v6 =	vadd.s32 v2, v6;
	_ =	sdelay $0x1  }
0x12c: {  	v5 =	vadd.s32 v2, v5;
	_ =	sdelay $0x2  }
0x12d: {  	[tilespmem:s12], [sflag:$0x1] =	stream.indirect_vreg.gather [hbm4b:s1+s3], $0x80, v6, vm0, $0xb8;
	[tilespmem:$0x12300] =	vst v63  }
0x12e: {  	_ = 	snop  }
0x12f: {  	[tilespmem:s5], [sflag:$0x1] =	stream.indirect_vreg.gather [hbm4b:s1+s3], $0x80, v5, vm0, $0xb8;
	[tilespmem:$0x12300] =	vst v63  }
0x130: {  	_ =	swait.ge [sflag:s22], $0x8000  }
0x131: {  	[sflag:s22] =	ssyncset.done $0x0  }
0x132: {  	s25 =	rddreg [dreg:$0x6];
	[sflag:s22] =	ssyncadd.s32 $0xFFFF8000  }
0x133: {  	[hbm4b:s25+s3] =	stream.linear.scatter [tilespmem:s0], [sflag:$0x4], $0x8000, $0x38;
	[tilespmem:$0x12300] =	vst v63  }
0x134: {  	v5 =	vld [tilespmem:$0x80];
	_ =	sdelay $0x7  }
0x135: {  	[tilespmem:v5+s20+$0x0] =	vst.idx.add.f32.msk $0xffff, v4  }
0x136: {  	v5 =	vld [tilespmem:$0x90];
	_ =	sdelay $0x7  }
0x137: {  	[tilespmem:v5+s20+$0x0] =	vst.idx.add.f32.msk $0xffff, v4  }
0x138: {  	v5 =	vld [tilespmem:$0xA0];
	_ =	sdelay $0x7  }
0x139: {  	[tilespmem:v5+s20+$0x0] =	vst.idx.add.f32.msk $0xffff, v4  }
0x13a: {  	v5 =	vld [tilespmem:$0xB0];
	_ =	sdelay $0x7  }
0x13b: {  	[tilespmem:v5+s20+$0x0] =	vst.idx.add.f32.msk $0xffff, v4  }
0x13c: {  	v5 =	vld [tilespmem:$0xC0];
	_ =	sdelay $0x7  }
0x13d: {  	[tilespmem:v5+s20+$0x0] =	vst.idx.add.f32.msk $0xffff, v4  }
0x13e: {  	v5 =	vld [tilespmem:$0xD0];
	_ =	sdelay $0x7  }
0x13f: {  	[tilespmem:v5+s20+$0x0] =	vst.idx.add.f32.msk $0xffff, v4  }
0x140: {  	v5 =	vld [tilespmem:$0xE0];
	_ =	sdelay $0x7  }
0x141: {  	[tilespmem:v5+s20+$0x0] =	vst.idx.add.f32.msk $0xffff, v4  }
0x142: {  	v5 =	vld [tilespmem:$0xF0];
	_ =	sdelay $0x7  }
0x143: {  	[tilespmem:v5+s20+$0x0] =	vst.idx.add.f32.msk $0xffff, v4  }
0x144: {  	_ =	swait.ge [sflag:s23], $0x8000  }
0x145: {  	[sflag:s23] =	ssyncset.done $0x0  }
0x146: {  	[sflag:s23] =	ssyncadd.s32 $0xFFFF8000  }
0x147: {  	v5 =	vld [tilespmem:$0x180];
	_ =	sdelay $0x4  }
0x148: {  	v6 =	vshll.u32 v5, $0x1  }
0x149: {  	v5 =	vand.u32 $0x7, v5;
	v6 =	vand.u32 $0xFFFFFFF0, v6  }
0x14a: {  	v5 =	vor.u32 v5, v6  }
0x14b: {  	v6 =	vperm.xlane v5, v1;
	_ =	sdelay $0x1  }
0x14c: {  	v5 =	vperm.xlane v5, v3;
	v6 =	vadd.s32 v2, v6;
	_ =	sdelay $0x1  }
0x14d: {  	v5 =	vadd.s32 v2, v5;
	_ =	sdelay $0x2  }
0x14e: {  	[tilespmem:s0], [sflag:$0x2] =	stream.indirect_vreg.gather [hbm4b:s1+s3], $0x80, v6, vm0, $0xb8;
	[tilespmem:$0x12300] =	vst v63  }
0x14f: {  	_ = 	snop  }
0x150: {  	[tilespmem:s15], [sflag:$0x2] =	stream.indirect_vreg.gather [hbm4b:s1+s3], $0x80, v5, vm0, $0xb8;
	[tilespmem:$0x12300] =	vst v63  }
0x151: {  	v5 =	vld [tilespmem:$0x190];
	_ =	sdelay $0x4  }
0x152: {  	v6 =	vshll.u32 v5, $0x1  }
0x153: {  	v5 =	vand.u32 $0x7, v5;
	v6 =	vand.u32 $0xFFFFFFF0, v6  }
0x154: {  	v5 =	vor.u32 v5, v6  }
0x155: {  	v6 =	vperm.xlane v5, v1;
	_ =	sdelay $0x1  }
0x156: {  	v5 =	vperm.xlane v5, v3;
	v6 =	vadd.s32 v2, v6;
	_ =	sdelay $0x1  }
0x157: {  	v5 =	vadd.s32 v2, v5;
	_ =	sdelay $0x2  }
0x158: {  	[tilespmem:s16], [sflag:$0x2] =	stream.indirect_vreg.gather [hbm4b:s1+s3], $0x80, v6, vm0, $0xb8;
	[tilespmem:$0x12300] =	vst v63  }
0x159: {  	_ = 	snop  }
0x15a: {  	[tilespmem:s17], [sflag:$0x2] =	stream.indirect_vreg.gather [hbm4b:s1+s3], $0x80, v5, vm0, $0xb8;
	[tilespmem:$0x12300] =	vst v63  }
0x15b: {  	v5 =	vld [tilespmem:$0x1A0];
	_ =	sdelay $0x4  }
0x15c: {  	v6 =	vshll.u32 v5, $0x1  }
0x15d: {  	v5 =	vand.u32 $0x7, v5;
	v6 =	vand.u32 $0xFFFFFFF0, v6  }
0x15e: {  	v5 =	vor.u32 v5, v6  }
0x15f: {  	v6 =	vperm.xlane v5, v1;
	_ =	sdelay $0x1  }
0x160: {  	v5 =	vperm.xlane v5, v3;
	v6 =	vadd.s32 v2, v6;
	_ =	sdelay $0x1  }
0x161: {  	v5 =	vadd.s32 v2, v5;
	_ =	sdelay $0x2  }
0x162: {  	[tilespmem:s18], [sflag:$0x2] =	stream.indirect_vreg.gather [hbm4b:s1+s3], $0x80, v6, vm0, $0xb8;
	[tilespmem:$0x12300] =	vst v63  }
0x163: {  	s25 =	simm.s32 $0xAB00  }
0x164: {  	[tilespmem:s25], [sflag:$0x2] =	stream.indirect_vreg.gather [hbm4b:s1+s3], $0x80, v5, vm0, $0xb8;
	[tilespmem:$0x12300] =	vst v63  }
0x165: {  	v5 =	vld [tilespmem:$0x1B0];
	_ =	sdelay $0x4  }
0x166: {  	v6 =	vshll.u32 v5, $0x1  }
0x167: {  	v5 =	vand.u32 $0x7, v5;
	v6 =	vand.u32 $0xFFFFFFF0, v6  }
0x168: {  	v5 =	vor.u32 v5, v6  }
0x169: {  	v6 =	vperm.xlane v5, v1;
	_ =	sdelay $0x1  }
0x16a: {  	v5 =	vperm.xlane v5, v3;
	v6 =	vadd.s32 v2, v6;
	_ =	sdelay $0x1  }
0x16b: {  	v5 =	vadd.s32 v2, v5;
	_ =	sdelay $0x2  }
0x16c: {  	[tilespmem:s14], [sflag:$0x2] =	stream.indirect_vreg.gather [hbm4b:s1+s3], $0x80, v6, vm0, $0xb8;
	[tilespmem:$0x12300] =	vst v63  }
0x16d: {  	s25 =	simm.s32 $0xBB00  }
0x16e: {  	[tilespmem:s25], [sflag:$0x2] =	stream.indirect_vreg.gather [hbm4b:s1+s3], $0x80, v5, vm0, $0xb8;
	[tilespmem:$0x12300] =	vst v63  }
0x16f: {  	v5 =	vld [tilespmem:$0x1C0];
	_ =	sdelay $0x4  }
0x170: {  	v6 =	vshll.u32 v5, $0x1  }
0x171: {  	v5 =	vand.u32 $0x7, v5;
	v6 =	vand.u32 $0xFFFFFFF0, v6  }
0x172: {  	v5 =	vor.u32 v5, v6  }
0x173: {  	v6 =	vperm.xlane v5, v1;
	_ =	sdelay $0x1  }
0x174: {  	v5 =	vperm.xlane v5, v3;
	v6 =	vadd.s32 v2, v6;
	_ =	sdelay $0x1  }
0x175: {  	v5 =	vadd.s32 v2, v5;
	_ =	sdelay $0x1  }
0x176: {  	s25 =	simm.s32 $0xC300  }
0x177: {  	[tilespmem:s25], [sflag:$0x2] =	stream.indirect_vreg.gather [hbm4b:s1+s3], $0x80, v6, vm0, $0xb8;
	[tilespmem:$0x12300] =	vst v63  }
0x178: {  	s25 =	simm.s32 $0xCB00  }
0x179: {  	[tilespmem:s25], [sflag:$0x2] =	stream.indirect_vreg.gather [hbm4b:s1+s3], $0x80, v5, vm0, $0xb8;
	[tilespmem:$0x12300] =	vst v63  }
0x17a: {  	v5 =	vld [tilespmem:$0x1D0];
	_ =	sdelay $0x4  }
0x17b: {  	v6 =	vshll.u32 v5, $0x1  }
0x17c: {  	v5 =	vand.u32 $0x7, v5;
	v6 =	vand.u32 $0xFFFFFFF0, v6  }
0x17d: {  	v5 =	vor.u32 v5, v6  }
0x17e: {  	v6 =	vperm.xlane v5, v1;
	_ =	sdelay $0x1  }
0x17f: {  	v5 =	vperm.xlane v5, v3;
	v6 =	vadd.s32 v2, v6;
	_ =	sdelay $0x1  }
0x180: {  	v5 =	vadd.s32 v2, v5;
	_ =	sdelay $0x1  }
0x181: {  	s25 =	simm.s32 $0xD300  }
0x182: {  	[tilespmem:s25], [sflag:$0x2] =	stream.indirect_vreg.gather [hbm4b:s1+s3], $0x80, v6, vm0, $0xb8;
	[tilespmem:$0x12300] =	vst v63  }
0x183: {  	s25 =	simm.s32 $0xDB00  }
0x184: {  	[tilespmem:s25], [sflag:$0x2] =	stream.indirect_vreg.gather [hbm4b:s1+s3], $0x80, v5, vm0, $0xb8;
	[tilespmem:$0x12300] =	vst v63  }
0x185: {  	v5 =	vld [tilespmem:$0x1E0];
	_ =	sdelay $0x4  }
0x186: {  	v6 =	vshll.u32 v5, $0x1  }
0x187: {  	v5 =	vand.u32 $0x7, v5;
	v6 =	vand.u32 $0xFFFFFFF0, v6  }
0x188: {  	v5 =	vor.u32 v5, v6  }
0x189: {  	v6 =	vperm.xlane v5, v1;
	_ =	sdelay $0x1  }
0x18a: {  	v5 =	vperm.xlane v5, v3;
	v6 =	vadd.s32 v2, v6;
	_ =	sdelay $0x1  }
0x18b: {  	v5 =	vadd.s32 v2, v5;
	_ =	sdelay $0x1  }
0x18c: {  	s25 =	simm.s32 $0xE300  }
0x18d: {  	[tilespmem:s25], [sflag:$0x2] =	stream.indirect_vreg.gather [hbm4b:s1+s3], $0x80, v6, vm0, $0xb8;
	[tilespmem:$0x12300] =	vst v63  }
0x18e: {  	s25 =	simm.s32 $0xEB00  }
0x18f: {  	[tilespmem:s25], [sflag:$0x2] =	stream.indirect_vreg.gather [hbm4b:s1+s3], $0x80, v5, vm0, $0xb8;
	[tilespmem:$0x12300] =	vst v63  }
0x190: {  	v5 =	vld [tilespmem:$0x1F0];
	_ =	sdelay $0x4  }
0x191: {  	v6 =	vshll.u32 v5, $0x1  }
0x192: {  	v5 =	vand.u32 $0x7, v5;
	v6 =	vand.u32 $0xFFFFFFF0, v6  }
0x193: {  	v5 =	vor.u32 v5, v6  }
0x194: {  	v6 =	vperm.xlane v5, v1;
	_ =	sdelay $0x1  }
0x195: {  	v5 =	vperm.xlane v5, v3;
	v6 =	vadd.s32 v2, v6;
	_ =	sdelay $0x1  }
0x196: {  	v5 =	vadd.s32 v2, v5;
	_ =	sdelay $0x1  }
0x197: {  	s25 =	simm.s32 $0xF300  }
0x198: {  	[tilespmem:s25], [sflag:$0x2] =	stream.indirect_vreg.gather [hbm4b:s1+s3], $0x80, v6, vm0, $0xb8;
	[tilespmem:$0x12300] =	vst v63  }
0x199: {  	s25 =	simm.s32 $0xFB00  }
0x19a: {  	[tilespmem:s25], [sflag:$0x2] =	stream.indirect_vreg.gather [hbm4b:s1+s3], $0x80, v5, vm0, $0xb8;
	[tilespmem:$0x12300] =	vst v63  }
0x19b: {  	_ =	swait.ge [sflag:s19], $0x8000  }
0x19c: {  	[sflag:s19] =	ssyncset.done $0x0  }
0x19d: {  	s25 =	rddreg [dreg:$0x7];
	[sflag:s19] =	ssyncadd.s32 $0xFFFF8000  }
0x19e: {  	[hbm4b:s25+s3] =	stream.linear.scatter [tilespmem:s31], [sflag:$0x3], $0x8000, $0x38;
	[tilespmem:$0x12300] =	vst v63  }
0x19f: {  	v5 =	vld [tilespmem:$0x100];
	_ =	sdelay $0x7  }
0x1a0: {  	[tilespmem:v5+s20+$0x0] =	vst.idx.add.f32.msk $0xffff, v4  }
0x1a1: {  	v5 =	vld [tilespmem:$0x110];
	_ =	sdelay $0x7  }
0x1a2: {  	[tilespmem:v5+s20+$0x0] =	vst.idx.add.f32.msk $0xffff, v4  }
0x1a3: {  	v5 =	vld [tilespmem:$0x120];
	_ =	sdelay $0x7  }
0x1a4: {  	[tilespmem:v5+s20+$0x0] =	vst.idx.add.f32.msk $0xffff, v4  }
0x1a5: {  	v5 =	vld [tilespmem:$0x130];
	_ =	sdelay $0x7  }
0x1a6: {  	[tilespmem:v5+s20+$0x0] =	vst.idx.add.f32.msk $0xffff, v4  }
0x1a7: {  	v5 =	vld [tilespmem:$0x140];
	_ =	sdelay $0x7  }
0x1a8: {  	[tilespmem:v5+s20+$0x0] =	vst.idx.add.f32.msk $0xffff, v4  }
0x1a9: {  	v5 =	vld [tilespmem:$0x150];
	_ =	sdelay $0x7  }
0x1aa: {  	[tilespmem:v5+s20+$0x0] =	vst.idx.add.f32.msk $0xffff, v4  }
0x1ab: {  	v5 =	vld [tilespmem:$0x160];
	_ =	sdelay $0x7  }
0x1ac: {  	[tilespmem:v5+s20+$0x0] =	vst.idx.add.f32.msk $0xffff, v4  }
0x1ad: {  	v5 =	vld [tilespmem:$0x170];
	_ =	sdelay $0x7  }
0x1ae: {  	[tilespmem:v5+s20+$0x0] =	vst.idx.add.f32.msk $0xffff, v4  }
0x1af: {  	_ =	swait.ge [sflag:s21], $0x8000  }
0x1b0: {  	[sflag:s21] =	ssyncset.done $0x0  }
0x1b1: {  	[sflag:s21] =	ssyncadd.s32 $0xFFFF8000  }
0x1b2: {  	v5 =	vld [tilespmem:$0x200];
	_ =	sdelay $0x4  }
0x1b3: {  	v6 =	vshll.u32 v5, $0x1  }
0x1b4: {  	v5 =	vand.u32 $0x7, v5;
	v6 =	vand.u32 $0xFFFFFFF0, v6  }
0x1b5: {  	v5 =	vor.u32 v5, v6  }
0x1b6: {  	v6 =	vperm.xlane v5, v1;
	_ =	sdelay $0x1  }
0x1b7: {  	v5 =	vperm.xlane v5, v3;
	v6 =	vadd.s32 v2, v6;
	_ =	sdelay $0x1  }
0x1b8: {  	v5 =	vadd.s32 v2, v5;
	_ =	sdelay $0x2  }
0x1b9: {  	[tilespmem:s31], [sflag:$0x1] =	stream.indirect_vreg.gather [hbm4b:s1+s3], $0x80, v6, vm0, $0xb8;
	[tilespmem:$0x12300] =	vst v63  }
0x1ba: {  	_ = 	snop  }
0x1bb: {  	[tilespmem:s26], [sflag:$0x1] =	stream.indirect_vreg.gather [hbm4b:s1+s3], $0x80, v5, vm0, $0xb8;
	[tilespmem:$0x12300] =	vst v63  }
0x1bc: {  	v5 =	vld [tilespmem:$0x210];
	_ =	sdelay $0x4  }
0x1bd: {  	v6 =	vshll.u32 v5, $0x1  }
0x1be: {  	v5 =	vand.u32 $0x7, v5;
	v6 =	vand.u32 $0xFFFFFFF0, v6  }
0x1bf: {  	v5 =	vor.u32 v5, v6  }
0x1c0: {  	v6 =	vperm.xlane v5, v1;
	_ =	sdelay $0x1  }
0x1c1: {  	v5 =	vperm.xlane v5, v3;
	v6 =	vadd.s32 v2, v6;
	_ =	sdelay $0x1  }
0x1c2: {  	v5 =	vadd.s32 v2, v5;
	_ =	sdelay $0x2  }
0x1c3: {  	[tilespmem:s28], [sflag:$0x1] =	stream.indirect_vreg.gather [hbm4b:s1+s3], $0x80, v6, vm0, $0xb8;
	[tilespmem:$0x12300] =	vst v63  }
0x1c4: {  	_ = 	snop  }
0x1c5: {  	[tilespmem:s29], [sflag:$0x1] =	stream.indirect_vreg.gather [hbm4b:s1+s3], $0x80, v5, vm0, $0xb8;
	[tilespmem:$0x12300] =	vst v63  }
0x1c6: {  	v5 =	vld [tilespmem:$0x220];
	_ =	sdelay $0x4  }
0x1c7: {  	v6 =	vshll.u32 v5, $0x1  }
0x1c8: {  	v5 =	vand.u32 $0x7, v5;
	v6 =	vand.u32 $0xFFFFFFF0, v6  }
0x1c9: {  	v5 =	vor.u32 v5, v6  }
0x1ca: {  	v6 =	vperm.xlane v5, v1;
	_ =	sdelay $0x1  }
0x1cb: {  	v5 =	vperm.xlane v5, v3;
	v6 =	vadd.s32 v2, v6;
	_ =	sdelay $0x1  }
0x1cc: {  	v5 =	vadd.s32 v2, v5;
	_ =	sdelay $0x2  }
0x1cd: {  	[tilespmem:s30], [sflag:$0x1] =	stream.indirect_vreg.gather [hbm4b:s1+s3], $0x80, v6, vm0, $0xb8;
	[tilespmem:$0x12300] =	vst v63  }
0x1ce: {  	_ = 	snop  }
0x1cf: {  	[tilespmem:s2], [sflag:$0x1] =	stream.indirect_vreg.gather [hbm4b:s1+s3], $0x80, v5, vm0, $0xb8;
	[tilespmem:$0x12300] =	vst v63  }
0x1d0: {  	v5 =	vld [tilespmem:$0x230];
	_ =	sdelay $0x4  }
0x1d1: {  	v6 =	vshll.u32 v5, $0x1  }
0x1d2: {  	v5 =	vand.u32 $0x7, v5;
	v6 =	vand.u32 $0xFFFFFFF0, v6  }
0x1d3: {  	v5 =	vor.u32 v5, v6  }
0x1d4: {  	v6 =	vperm.xlane v5, v1;
	_ =	sdelay $0x1  }
0x1d5: {  	v5 =	vperm.xlane v5, v3;
	v6 =	vadd.s32 v2, v6;
	_ =	sdelay $0x1  }
0x1d6: {  	v5 =	vadd.s32 v2, v5;
	_ =	sdelay $0x2  }
0x1d7: {  	[tilespmem:s13], [sflag:$0x1] =	stream.indirect_vreg.gather [hbm4b:s1+s3], $0x80, v6, vm0, $0xb8;
	[tilespmem:$0x12300] =	vst v63  }
0x1d8: {  	_ = 	snop  }
0x1d9: {  	[tilespmem:s4], [sflag:$0x1] =	stream.indirect_vreg.gather [hbm4b:s1+s3], $0x80, v5, vm0, $0xb8;
	[tilespmem:$0x12300] =	vst v63  }
0x1da: {  	v5 =	vld [tilespmem:$0x240];
	_ =	sdelay $0x4  }
0x1db: {  	v6 =	vshll.u32 v5, $0x1  }
0x1dc: {  	v5 =	vand.u32 $0x7, v5;
	v6 =	vand.u32 $0xFFFFFFF0, v6  }
0x1dd: {  	v5 =	vor.u32 v5, v6  }
0x1de: {  	v6 =	vperm.xlane v5, v1;
	_ =	sdelay $0x1  }
0x1df: {  	v5 =	vperm.xlane v5, v3;
	v6 =	vadd.s32 v2, v6;
	_ =	sdelay $0x1  }
0x1e0: {  	v5 =	vadd.s32 v2, v5;
	_ =	sdelay $0x2  }
0x1e1: {  	[tilespmem:s6], [sflag:$0x1] =	stream.indirect_vreg.gather [hbm4b:s1+s3], $0x80, v6, vm0, $0xb8;
	[tilespmem:$0x12300] =	vst v63  }
0x1e2: {  	_ = 	snop  }
0x1e3: {  	[tilespmem:s7], [sflag:$0x1] =	stream.indirect_vreg.gather [hbm4b:s1+s3], $0x80, v5, vm0, $0xb8;
	[tilespmem:$0x12300] =	vst v63  }
0x1e4: {  	v5 =	vld [tilespmem:$0x250];
	_ =	sdelay $0x4  }
0x1e5: {  	v6 =	vshll.u32 v5, $0x1  }
0x1e6: {  	v5 =	vand.u32 $0x7, v5;
	v6 =	vand.u32 $0xFFFFFFF0, v6  }
0x1e7: {  	v5 =	vor.u32 v5, v6  }
0x1e8: {  	v6 =	vperm.xlane v5, v1;
	_ =	sdelay $0x1  }
0x1e9: {  	v5 =	vperm.xlane v5, v3;
	v6 =	vadd.s32 v2, v6;
	_ =	sdelay $0x1  }
0x1ea: {  	v5 =	vadd.s32 v2, v5;
	_ =	sdelay $0x2  }
0x1eb: {  	[tilespmem:s8], [sflag:$0x1] =	stream.indirect_vreg.gather [hbm4b:s1+s3], $0x80, v6, vm0, $0xb8;
	[tilespmem:$0x12300] =	vst v63  }
0x1ec: {  	_ = 	snop  }
0x1ed: {  	[tilespmem:s9], [sflag:$0x1] =	stream.indirect_vreg.gather [hbm4b:s1+s3], $0x80, v5, vm0, $0xb8;
	[tilespmem:$0x12300] =	vst v63  }
0x1ee: {  	v5 =	vld [tilespmem:$0x260];
	_ =	sdelay $0x4  }
0x1ef: {  	v6 =	vshll.u32 v5, $0x1  }
0x1f0: {  	v5 =	vand.u32 $0x7, v5;
	v6 =	vand.u32 $0xFFFFFFF0, v6  }
0x1f1: {  	v5 =	vor.u32 v5, v6  }
0x1f2: {  	v6 =	vperm.xlane v5, v1;
	_ =	sdelay $0x1  }
0x1f3: {  	v5 =	vperm.xlane v5, v3;
	v6 =	vadd.s32 v2, v6;
	_ =	sdelay $0x1  }
0x1f4: {  	v5 =	vadd.s32 v2, v5;
	_ =	sdelay $0x2  }
0x1f5: {  	[tilespmem:s10], [sflag:$0x1] =	stream.indirect_vreg.gather [hbm4b:s1+s3], $0x80, v6, vm0, $0xb8;
	[tilespmem:$0x12300] =	vst v63  }
0x1f6: {  	_ = 	snop  }
0x1f7: {  	[tilespmem:s11], [sflag:$0x1] =	stream.indirect_vreg.gather [hbm4b:s1+s3], $0x80, v5, vm0, $0xb8;
	[tilespmem:$0x12300] =	vst v63  }
0x1f8: {  	v5 =	vld [tilespmem:$0x270];
	_ =	sdelay $0x4  }
0x1f9: {  	v6 =	vshll.u32 v5, $0x1  }
0x1fa: {  	v5 =	vand.u32 $0x7, v5;
	v6 =	vand.u32 $0xFFFFFFF0, v6  }
0x1fb: {  	v5 =	vor.u32 v5, v6  }
0x1fc: {  	v6 =	vperm.xlane v5, v1;
	_ =	sdelay $0x1  }
0x1fd: {  	v5 =	vperm.xlane v5, v3;
	v6 =	vadd.s32 v2, v6;
	_ =	sdelay $0x1  }
0x1fe: {  	v5 =	vadd.s32 v2, v5;
	_ =	sdelay $0x2  }
0x1ff: {  	[tilespmem:s12], [sflag:$0x1] =	stream.indirect_vreg.gather [hbm4b:s1+s3], $0x80, v6, vm0, $0xb8;
	[tilespmem:$0x12300] =	vst v63  }
0x200: {  	_ = 	snop  }
0x201: {  	[tilespmem:s5], [sflag:$0x1] =	stream.indirect_vreg.gather [hbm4b:s1+s3], $0x80, v5, vm0, $0xb8;
	[tilespmem:$0x12300] =	vst v63  }
0x202: {  	_ =	swait.ge [sflag:s22], $0x8000  }
0x203: {  	[sflag:s22] =	ssyncset.done $0x0  }
0x204: {  	s2 =	rddreg [dreg:$0x8];
	[sflag:s22] =	ssyncadd.s32 $0xFFFF8000  }
0x205: {  	[hbm4b:s2+s3] =	stream.linear.scatter [tilespmem:s0], [sflag:$0x4], $0x8000, $0x38;
	[tilespmem:$0x12300] =	vst v63  }
0x206: {  	v5 =	vld [tilespmem:$0x180];
	_ =	sdelay $0x7  }
0x207: {  	[tilespmem:v5+s20+$0x0] =	vst.idx.add.f32.msk $0xffff, v4  }
0x208: {  	v5 =	vld [tilespmem:$0x190];
	_ =	sdelay $0x7  }
0x209: {  	[tilespmem:v5+s20+$0x0] =	vst.idx.add.f32.msk $0xffff, v4  }
0x20a: {  	v5 =	vld [tilespmem:$0x1A0];
	_ =	sdelay $0x7  }
0x20b: {  	[tilespmem:v5+s20+$0x0] =	vst.idx.add.f32.msk $0xffff, v4  }
0x20c: {  	v5 =	vld [tilespmem:$0x1B0];
	_ =	sdelay $0x7  }
0x20d: {  	[tilespmem:v5+s20+$0x0] =	vst.idx.add.f32.msk $0xffff, v4  }
0x20e: {  	v5 =	vld [tilespmem:$0x1C0];
	_ =	sdelay $0x7  }
0x20f: {  	[tilespmem:v5+s20+$0x0] =	vst.idx.add.f32.msk $0xffff, v4  }
0x210: {  	v5 =	vld [tilespmem:$0x1D0];
	_ =	sdelay $0x7  }
0x211: {  	[tilespmem:v5+s20+$0x0] =	vst.idx.add.f32.msk $0xffff, v4  }
0x212: {  	v5 =	vld [tilespmem:$0x1E0];
	_ =	sdelay $0x7  }
0x213: {  	[tilespmem:v5+s20+$0x0] =	vst.idx.add.f32.msk $0xffff, v4  }
0x214: {  	v5 =	vld [tilespmem:$0x1F0];
	_ =	sdelay $0x7  }
0x215: {  	[tilespmem:v5+s20+$0x0] =	vst.idx.add.f32.msk $0xffff, v4  }
0x216: {  	_ =	swait.ge [sflag:s23], $0x8000  }
0x217: {  	[sflag:s23] =	ssyncset.done $0x0  }
0x218: {  	[sflag:s23] =	ssyncadd.s32 $0xFFFF8000  }
0x219: {  	v5 =	vld [tilespmem:$0x280];
	_ =	sdelay $0x4  }
0x21a: {  	v6 =	vshll.u32 v5, $0x1  }
0x21b: {  	v5 =	vand.u32 $0x7, v5;
	v6 =	vand.u32 $0xFFFFFFF0, v6  }
0x21c: {  	v5 =	vor.u32 v5, v6  }
0x21d: {  	v6 =	vperm.xlane v5, v1;
	_ =	sdelay $0x1  }
0x21e: {  	v5 =	vperm.xlane v5, v3;
	v6 =	vadd.s32 v2, v6;
	_ =	sdelay $0x1  }
0x21f: {  	v5 =	vadd.s32 v2, v5;
	_ =	sdelay $0x2  }
0x220: {  	[tilespmem:s0], [sflag:$0x2] =	stream.indirect_vreg.gather [hbm4b:s1+s3], $0x80, v6, vm0, $0xb8;
	[tilespmem:$0x12300] =	vst v63  }
0x221: {  	_ = 	snop  }
0x222: {  	[tilespmem:s15], [sflag:$0x2] =	stream.indirect_vreg.gather [hbm4b:s1+s3], $0x80, v5, vm0, $0xb8;
	[tilespmem:$0x12300] =	vst v63  }
0x223: {  	v5 =	vld [tilespmem:$0x290];
	_ =	sdelay $0x4  }
0x224: {  	v6 =	vshll.u32 v5, $0x1  }
0x225: {  	v5 =	vand.u32 $0x7, v5;
	v6 =	vand.u32 $0xFFFFFFF0, v6  }
0x226: {  	v5 =	vor.u32 v5, v6  }
0x227: {  	v6 =	vperm.xlane v5, v1;
	_ =	sdelay $0x1  }
0x228: {  	v5 =	vperm.xlane v5, v3;
	v6 =	vadd.s32 v2, v6;
	_ =	sdelay $0x1  }
0x229: {  	v5 =	vadd.s32 v2, v5;
	_ =	sdelay $0x2  }
0x22a: {  	[tilespmem:s16], [sflag:$0x2] =	stream.indirect_vreg.gather [hbm4b:s1+s3], $0x80, v6, vm0, $0xb8;
	[tilespmem:$0x12300] =	vst v63  }
0x22b: {  	_ = 	snop  }
0x22c: {  	[tilespmem:s17], [sflag:$0x2] =	stream.indirect_vreg.gather [hbm4b:s1+s3], $0x80, v5, vm0, $0xb8;
	[tilespmem:$0x12300] =	vst v63  }
0x22d: {  	v5 =	vld [tilespmem:$0x2A0];
	_ =	sdelay $0x4  }
0x22e: {  	v6 =	vshll.u32 v5, $0x1  }
0x22f: {  	v5 =	vand.u32 $0x7, v5;
	v6 =	vand.u32 $0xFFFFFFF0, v6  }
0x230: {  	v5 =	vor.u32 v5, v6  }
0x231: {  	v6 =	vperm.xlane v5, v1;
	_ =	sdelay $0x1  }
0x232: {  	v5 =	vperm.xlane v5, v3;
	v6 =	vadd.s32 v2, v6;
	_ =	sdelay $0x1  }
0x233: {  	v5 =	vadd.s32 v2, v5;
	_ =	sdelay $0x2  }
0x234: {  	[tilespmem:s18], [sflag:$0x2] =	stream.indirect_vreg.gather [hbm4b:s1+s3], $0x80, v6, vm0, $0xb8;
	[tilespmem:$0x12300] =	vst v63  }
0x235: {  	s26 =	simm.s32 $0xAB00  }
0x236: {  	[tilespmem:s26], [sflag:$0x2] =	stream.indirect_vreg.gather [hbm4b:s1+s3], $0x80, v5, vm0, $0xb8;
	[tilespmem:$0x12300] =	vst v63  }
0x237: {  	v5 =	vld [tilespmem:$0x2B0];
	_ =	sdelay $0x4  }
0x238: {  	v6 =	vshll.u32 v5, $0x1  }
0x239: {  	v5 =	vand.u32 $0x7, v5;
	v6 =	vand.u32 $0xFFFFFFF0, v6  }
0x23a: {  	v5 =	vor.u32 v5, v6  }
0x23b: {  	v6 =	vperm.xlane v5, v1;
	_ =	sdelay $0x1  }
0x23c: {  	v5 =	vperm.xlane v5, v3;
	v6 =	vadd.s32 v2, v6;
	_ =	sdelay $0x1  }
0x23d: {  	v5 =	vadd.s32 v2, v5;
	_ =	sdelay $0x2  }
0x23e: {  	[tilespmem:s14], [sflag:$0x2] =	stream.indirect_vreg.gather [hbm4b:s1+s3], $0x80, v6, vm0, $0xb8;
	[tilespmem:$0x12300] =	vst v63  }
0x23f: {  	s14 =	simm.s32 $0xBB00  }
0x240: {  	[tilespmem:s14], [sflag:$0x2] =	stream.indirect_vreg.gather [hbm4b:s1+s3], $0x80, v5, vm0, $0xb8;
	[tilespmem:$0x12300] =	vst v63  }
0x241: {  	v5 =	vld [tilespmem:$0x2C0];
	_ =	sdelay $0x4  }
0x242: {  	v6 =	vshll.u32 v5, $0x1  }
0x243: {  	v5 =	vand.u32 $0x7, v5;
	v6 =	vand.u32 $0xFFFFFFF0, v6  }
0x244: {  	v5 =	vor.u32 v5, v6  }
0x245: {  	v6 =	vperm.xlane v5, v1;
	_ =	sdelay $0x1  }
0x246: {  	v5 =	vperm.xlane v5, v3;
	v6 =	vadd.s32 v2, v6;
	_ =	sdelay $0x1  }
0x247: {  	v5 =	vadd.s32 v2, v5;
	_ =	sdelay $0x1  }
0x248: {  	s25 =	simm.s32 $0xC300  }
0x249: {  	[tilespmem:s25], [sflag:$0x2] =	stream.indirect_vreg.gather [hbm4b:s1+s3], $0x80, v6, vm0, $0xb8;
	[tilespmem:$0x12300] =	vst v63  }
0x24a: {  	s26 =	simm.s32 $0xCB00  }
0x24b: {  	[tilespmem:s26], [sflag:$0x2] =	stream.indirect_vreg.gather [hbm4b:s1+s3], $0x80, v5, vm0, $0xb8;
	[tilespmem:$0x12300] =	vst v63  }
0x24c: {  	v5 =	vld [tilespmem:$0x2D0];
	_ =	sdelay $0x4  }
0x24d: {  	v6 =	vshll.u32 v5, $0x1  }
0x24e: {  	v5 =	vand.u32 $0x7, v5;
	v6 =	vand.u32 $0xFFFFFFF0, v6  }
0x24f: {  	v5 =	vor.u32 v5, v6  }
0x250: {  	v6 =	vperm.xlane v5, v1;
	_ =	sdelay $0x1  }
0x251: {  	v5 =	vperm.xlane v5, v3;
	v6 =	vadd.s32 v2, v6;
	_ =	sdelay $0x1  }
0x252: {  	v5 =	vadd.s32 v2, v5;
	_ =	sdelay $0x1  }
0x253: {  	s14 =	simm.s32 $0xD300  }
0x254: {  	[tilespmem:s14], [sflag:$0x2] =	stream.indirect_vreg.gather [hbm4b:s1+s3], $0x80, v6, vm0, $0xb8;
	[tilespmem:$0x12300] =	vst v63  }
0x255: {  	s25 =	simm.s32 $0xDB00  }
0x256: {  	[tilespmem:s25], [sflag:$0x2] =	stream.indirect_vreg.gather [hbm4b:s1+s3], $0x80, v5, vm0, $0xb8;
	[tilespmem:$0x12300] =	vst v63  }
0x257: {  	v5 =	vld [tilespmem:$0x2E0];
	_ =	sdelay $0x4  }
0x258: {  	v6 =	vshll.u32 v5, $0x1  }
0x259: {  	v5 =	vand.u32 $0x7, v5;
	v6 =	vand.u32 $0xFFFFFFF0, v6  }
0x25a: {  	v5 =	vor.u32 v5, v6  }
0x25b: {  	v6 =	vperm.xlane v5, v1;
	_ =	sdelay $0x1  }
0x25c: {  	v5 =	vperm.xlane v5, v3;
	v6 =	vadd.s32 v2, v6;
	_ =	sdelay $0x1  }
0x25d: {  	v5 =	vadd.s32 v2, v5;
	_ =	sdelay $0x1  }
0x25e: {  	s26 =	simm.s32 $0xE300  }
0x25f: {  	[tilespmem:s26], [sflag:$0x2] =	stream.indirect_vreg.gather [hbm4b:s1+s3], $0x80, v6, vm0, $0xb8;
	[tilespmem:$0x12300] =	vst v63  }
0x260: {  	s14 =	simm.s32 $0xEB00  }
0x261: {  	[tilespmem:s14], [sflag:$0x2] =	stream.indirect_vreg.gather [hbm4b:s1+s3], $0x80, v5, vm0, $0xb8;
	[tilespmem:$0x12300] =	vst v63  }
0x262: {  	v5 =	vld [tilespmem:$0x2F0];
	_ =	sdelay $0x4  }
0x263: {  	v6 =	vshll.u32 v5, $0x1  }
0x264: {  	v5 =	vand.u32 $0x7, v5;
	v6 =	vand.u32 $0xFFFFFFF0, v6  }
0x265: {  	v5 =	vor.u32 v5, v6  }
0x266: {  	v6 =	vperm.xlane v5, v1;
	_ =	sdelay $0x1  }
0x267: {  	v5 =	vperm.xlane v5, v3;
	v6 =	vadd.s32 v2, v6;
	_ =	sdelay $0x1  }
0x268: {  	v5 =	vadd.s32 v2, v5;
	_ =	sdelay $0x1  }
0x269: {  	s25 =	simm.s32 $0xF300  }
0x26a: {  	[tilespmem:s25], [sflag:$0x2] =	stream.indirect_vreg.gather [hbm4b:s1+s3], $0x80, v6, vm0, $0xb8;
	[tilespmem:$0x12300] =	vst v63  }
0x26b: {  	s26 =	simm.s32 $0xFB00  }
0x26c: {  	[tilespmem:s26], [sflag:$0x2] =	stream.indirect_vreg.gather [hbm4b:s1+s3], $0x80, v5, vm0, $0xb8;
	[tilespmem:$0x12300] =	vst v63  }
0x26d: {  	_ =	swait.ge [sflag:s19], $0x8000  }
0x26e: {  	[sflag:s19] =	ssyncset.done $0x0  }
0x26f: {  	s14 =	rddreg [dreg:$0x9];
	[sflag:s19] =	ssyncadd.s32 $0xFFFF8000  }
0x270: {  	[hbm4b:s14+s3] =	stream.linear.scatter [tilespmem:s31], [sflag:$0x3], $0x8000, $0x38;
	[tilespmem:$0x12300] =	vst v63  }
0x271: {  	v5 =	vld [tilespmem:$0x200];
	_ =	sdelay $0x7  }
0x272: {  	[tilespmem:v5+s20+$0x0] =	vst.idx.add.f32.msk $0xffff, v4  }
0x273: {  	v5 =	vld [tilespmem:$0x210];
	_ =	sdelay $0x7  }
0x274: {  	[tilespmem:v5+s20+$0x0] =	vst.idx.add.f32.msk $0xffff, v4  }
0x275: {  	v5 =	vld [tilespmem:$0x220];
	_ =	sdelay $0x7  }
0x276: {  	[tilespmem:v5+s20+$0x0] =	vst.idx.add.f32.msk $0xffff, v4  }
0x277: {  	v5 =	vld [tilespmem:$0x230];
	_ =	sdelay $0x7  }
0x278: {  	[tilespmem:v5+s20+$0x0] =	vst.idx.add.f32.msk $0xffff, v4  }
0x279: {  	v5 =	vld [tilespmem:$0x240];
	_ =	sdelay $0x7  }
0x27a: {  	[tilespmem:v5+s20+$0x0] =	vst.idx.add.f32.msk $0xffff, v4  }
0x27b: {  	v5 =	vld [tilespmem:$0x250];
	_ =	sdelay $0x7  }
0x27c: {  	[tilespmem:v5+s20+$0x0] =	vst.idx.add.f32.msk $0xffff, v4  }
0x27d: {  	v5 =	vld [tilespmem:$0x260];
	_ =	sdelay $0x7  }
0x27e: {  	[tilespmem:v5+s20+$0x0] =	vst.idx.add.f32.msk $0xffff, v4  }
0x27f: {  	v5 =	vld [tilespmem:$0x270];
	_ =	sdelay $0x7  }
0x280: {  	[tilespmem:v5+s20+$0x0] =	vst.idx.add.f32.msk $0xffff, v4  }
0x281: {  	_ =	swait.ge [sflag:s22], $0x8000  }
0x282: {  	[sflag:s22] =	ssyncset.done $0x0  }
0x283: {  	s26 =	rddreg [dreg:$0xa];
	[sflag:s22] =	ssyncadd.s32 $0xFFFF8000  }
0x284: {  	[hbm4b:s26+s3] =	stream.linear.scatter [tilespmem:s0], [sflag:$0x4], $0x8000, $0x38;
	[tilespmem:$0x12300] =	vst v63  }
0x285: {  	v5 =	vld [tilespmem:$0x280];
	_ =	sdelay $0x7  }
0x286: {  	[tilespmem:v5+s20+$0x0] =	vst.idx.add.f32.msk $0xffff, v4  }
0x287: {  	v5 =	vld [tilespmem:$0x290];
	_ =	sdelay $0x7  }
0x288: {  	[tilespmem:v5+s20+$0x0] =	vst.idx.add.f32.msk $0xffff, v4  }
0x289: {  	v5 =	vld [tilespmem:$0x2A0];
	_ =	sdelay $0x7  }
0x28a: {  	[tilespmem:v5+s20+$0x0] =	vst.idx.add.f32.msk $0xffff, v4  }
0x28b: {  	v5 =	vld [tilespmem:$0x2B0];
	_ =	sdelay $0x7  }
0x28c: {  	[tilespmem:v5+s20+$0x0] =	vst.idx.add.f32.msk $0xffff, v4  }
0x28d: {  	v5 =	vld [tilespmem:$0x2C0];
	_ =	sdelay $0x7  }
0x28e: {  	[tilespmem:v5+s20+$0x0] =	vst.idx.add.f32.msk $0xffff, v4  }
0x28f: {  	v5 =	vld [tilespmem:$0x2D0];
	_ =	sdelay $0x7  }
0x290: {  	[tilespmem:v5+s20+$0x0] =	vst.idx.add.f32.msk $0xffff, v4  }
0x291: {  	v5 =	vld [tilespmem:$0x2E0];
	_ =	sdelay $0x7  }
0x292: {  	[tilespmem:v5+s20+$0x0] =	vst.idx.add.f32.msk $0xffff, v4  }
0x293: {  	v5 =	vld [tilespmem:$0x2F0];
	_ =	sdelay $0x7  }
0x294: {  	[tilespmem:v5+s20+$0x0] =	vst.idx.add.f32.msk $0xffff, v4  }
0x295: {  	_ =	swait.ge [sflag:s21], $0x8000  }
0x296: {  	[sflag:s21] =	ssyncset.done $0x0  }
0x297: {  	[sflag:s21] =	ssyncadd.s32 $0xFFFF8000  }
0x298: {  	_ =	swait.ge [sflag:s23], $0x8000  }
0x299: {  	s2 =	simm.s32 $0x80;
	[sflag:s23] =	ssyncset.done $0x0  }
0x29a: {  	s14 =	simm.s32 $0x400;
	s0 =	rddreg [dreg:$0xb];
	[sflag:s23] =	ssyncadd.s32 $0xFFFF8000  }
0x29b: {  	[hbm4b:s0+s2] =	stream.strided.scatter [tilespmem:s20], [sflag:$0x5], $0x2000, s14, s2, $0x38;
	[tilespmem:$0x12300] =	vst v63  }
0x29c: {  	s0 =	simm.s32 $0x5  }
0x29d: {  	_ =	swait.ge [sflag:s0], $0x2000  }
0x29e: {  	s24 =	sadd.s32 $0x1, s24;
	s26 =	rddreg [dreg:$0xc]  }
0x29f: {  	p0 =	sne.s32 s24, s26  }
.Ltmp1:
0x2a0: {  	_ = 	snop;
	(pc) =	sbr.rel @p0 .LBB2_1-.Ltmp1, $3  }
0x2a1: {  	_ =	sdelay $0x1  }
0x2a2: {  	[sflag:s0] =	ssyncset.done $0x0  }
0x2a3: {  	[sflag:s0] =	ssyncadd.s32 $0xFFFFE000  }
0x2a4: {  	_ =	sfence.sel $0x180000  }
0x2a5: {  	[bflag:$0x0] =	sbarrier.arrive $0xFFFF  }
0x2a6: {  	_ =	strace $0x90000047  }
0x2a7: {  	s0 =	stileid.u32;
	[bflag:$0x2] =	sbarrier.arrive $0xFFFF  }
0x2a8: {  	p0 =	sne.s32 s0, $0x0;
	s0 =	rddreg [dreg:$0x3]  }
0x2a9: {  	s0 =	sadd.s32 @!p0 $0x100000, s0  }
0x2aa: {  	[sflag:s0] =	ssyncadd.tile.s32 @!p0 $0x1;
	_ =	shalt  }
.Lfunc_end2:
_tile_overlayer_lowered:
.L_overlay_start_2:
0x2ab: {  	(tag) =	ssettag $0x2  }
0x2ac: {  	s0 =	rddreg [dreg:$0x0];
	s2 =	stileid.u32  }
0x2ad: {  	s1 =	rddreg [dreg:$0x1];
	p0 =	sne.s32 s2, $0x0  }
0x2ae: {  	s3 =	rddreg [dreg:$0x2];
	[bflag:$0x3] =	sbarrier.arrive $0xFFFF;
	s2 =	simm.s32 @!p0 $0x1C05  }
0x2af: {  	[timem:s3], [sflag:s2] =	dma.local @!p0 [hbm:s0], s1  }
0x2b0: {  	s0 =	simm.s32 @!p0 $0x5  }
0x2b1: {  	_ =	swait.ge @!p0 [sflag:s0], s1  }
0x2b2: {  	s1 =	ssub.s32 @!p0 $0x0, s1;
	[sflag:s0] =	ssyncset.done @!p0 $0x0  }
0x2b3: {  	[sflag:s0] =	ssyncadd.s32 @!p0 s1  }
0x2b4: {  	[bflag:$0x3] =	sbarrier.arrive $0xFFFF  }
0x2b5: {  	_ =	shalt  }

</sc_bundles>
